<compile_context>
chip_gen: v7x
topology: tpu7x:2x2x1
jax: 0.10.2.dev20260603
libtpu: 0.0.44.dev20260713+nightly
codegen_flags: <defaults>
</compile_context>

<pallas_src>
import functools

import jax
import jax.numpy as jnp
from jax import lax
from jax.experimental import pallas as pl
from jax.experimental.pallas import tpu as pltpu
from jax.experimental.pallas import tpu_sc as plsc

NCORES = 2
NSUB = 16
NTILES = NCORES * NSUB
CHUNK = 80
NBUF = 4
NIDX = 8
ZROWS = 64


def _round_up(a, b):
  return (a + b - 1) // b * b


def _sc_aggregate(x, edges):
  n_nodes, d = x.shape
  n_chunks = edges.shape[1] // CHUNK
  acc_rows = _round_up(n_nodes + 1, NSUB * ZROWS)
  zdmas_per_tile = acc_rows // NSUB // ZROWS
  rows_per_tile = acc_rows // NSUB
  la = NBUF - 1

  mesh = plsc.VectorSubcoreMesh(core_axis_name="c", subcore_axis_name="s")

  @functools.partial(
      pl.kernel,
      out_type=(jax.ShapeDtypeStruct((NCORES, acc_rows, d), jnp.float32),
                jax.ShapeDtypeStruct((NCORES, acc_rows), jnp.float32)),
      mesh=mesh,
      scratch_types=[
          pltpu.VMEM((NIDX, 2, CHUNK), jnp.int32),
          pltpu.VMEM((NBUF, CHUNK, d), jnp.float32),
          pltpu.VMEM((acc_rows // NSUB,), jnp.float32),
          pltpu.VMEM((CHUNK,), jnp.float32),
          pltpu.VMEM_SHARED((acc_rows, d), jnp.float32),
          pltpu.VMEM_SHARED((acc_rows,), jnp.float32),
          pltpu.SemaphoreType.DMA((NIDX,)),
          pltpu.SemaphoreType.DMA((NBUF,)),
          pltpu.SemaphoreType.DMA((NBUF,)),
          pltpu.SemaphoreType.DMA((NBUF,)),
      ],
      compiler_params=pltpu.CompilerParams(use_tc_tiling_on_sc=False),
  )
  def k(x_hbm, edges_hbm, out_hbm, cnt_hbm, idx_v, rows_v,
        zero1_v, ones_v, acc_sh, cnt_sh, sem_i, sem_g, sem_s, sem_c):
    cid = lax.axis_index("c")
    sid = lax.axis_index("s")
    wid = sid * NCORES + cid
    n_ch = (n_chunks - wid + NTILES - 1) // NTILES

    def idx_load(i, q):
      pltpu.async_copy(
          edges_hbm.at[:, pl.ds((wid + i * NTILES) * CHUNK, CHUNK)],
          idx_v.at[q], sem_i.at[q])

    def idx_wait(q):
      pltpu.make_async_copy(edges_hbm.at[:, pl.ds(0, CHUNK)], idx_v.at[q],
                            sem_i.at[q]).wait()

    def gather(i, b):
      q = lax.rem(i, NIDX)
      idx_wait(q)
      pltpu.async_copy(x_hbm.at[idx_v.at[q, 0]], rows_v.at[b], sem_g.at[b])

    for j in range(la + 2):
      idx_load(j, j)

    def zrow(i, _):
      for kk in range(d // 16):
        rows_v[la, i, pl.ds(kk * 16, 16)] = jnp.zeros((16,), jnp.float32)
      return 0
    lax.fori_loop(0, ZROWS, zrow, 0)

    for j in range(la):
      gather(j, j)

    def z1d(i, _):
      for kk in range(4):
        zero1_v[pl.ds(i * 64 + kk * 16, 16)] = jnp.zeros((16,), jnp.float32)
      return 0
    lax.fori_loop(0, rows_per_tile // 64, z1d, 0)

    for kk in range(CHUNK // 16):
      ones_v[pl.ds(kk * 16, 16)] = jnp.ones((16,), jnp.float32)

    def zdma(b, _):
      base = sid * rows_per_tile + b * ZROWS
      pltpu.sync_copy(rows_v.at[la, pl.ds(0, ZROWS)],
                      acc_sh.at[pl.ds(base, ZROWS)])
      return 0
    lax.fori_loop(0, zdmas_per_tile, zdma, 0)
    pltpu.sync_copy(zero1_v, cnt_sh.at[pl.ds(sid * rows_per_tile,
                                             rows_per_tile)])

    plsc.subcore_barrier()

    def body(i, _):
      b = lax.rem(i, NBUF)
      pltpu.make_async_copy(x_hbm.at[pl.ds(0, CHUNK)], rows_v.at[b],
                            sem_g.at[b]).wait()
      q0 = lax.rem(i, NIDX)
      pltpu.async_copy(rows_v.at[b], acc_sh.at[idx_v.at[q0, 1]],
                       sem_s.at[b], add=True)
      pltpu.async_copy(ones_v, cnt_sh.at[idx_v.at[q0, 1]], sem_c.at[b],
                       add=True)

      @pl.when(i + la < n_ch)
      def _():
        bl = lax.rem(i + la, NBUF)

        @pl.when(i >= 1)
        def _():
          pltpu.make_async_copy(rows_v.at[bl], acc_sh.at[pl.ds(0, CHUNK)],
                                sem_s.at[bl]).wait()
          pltpu.make_async_copy(ones_v, cnt_sh.at[pl.ds(0, CHUNK)],
                                sem_c.at[bl]).wait()
        gather(i + la, bl)

        @pl.when(i + la + 2 < n_ch)
        def _():
          idx_load(i + la + 2, lax.rem(i + la + 2, NIDX))
      return 0
    lax.fori_loop(0, n_ch, body, 0)

    for b in range(NBUF):
      pltpu.make_async_copy(rows_v.at[b], acc_sh.at[pl.ds(0, CHUNK)],
                            sem_s.at[b]).wait()
      pltpu.make_async_copy(ones_v, cnt_sh.at[pl.ds(0, CHUNK)],
                            sem_c.at[b]).wait()

    plsc.subcore_barrier()

    pltpu.sync_copy(
        acc_sh.at[pl.ds(sid * rows_per_tile, rows_per_tile)],
        out_hbm.at[cid, pl.ds(sid * rows_per_tile, rows_per_tile)])
    pltpu.sync_copy(
        cnt_sh.at[pl.ds(sid * rows_per_tile, rows_per_tile)],
        cnt_hbm.at[cid, pl.ds(sid * rows_per_tile, rows_per_tile)])

  return k(x, edges)


def _xr_body(x_ref, wr_ref, bl_ref, o_ref):
  o_ref[...] = lax.dot_general(
      x_ref[...], wr_ref[...], (((1,), (1,)), ((), ())),
      preferred_element_type=jnp.float32) + bl_ref[...]


def _tc_xr(x, w_r, b_l):
  n, d_in = x.shape
  d_out = w_r.shape[0]
  blk = 2048
  return pl.pallas_call(
      _xr_body,
      grid=(-(-n // blk),),
      in_specs=[
          pl.BlockSpec((blk, d_in), lambda i: (i, 0)),
          pl.BlockSpec((d_out, d_in), lambda i: (0, 0)),
          pl.BlockSpec((1, d_out), lambda i: (0, 0)),
      ],
      out_specs=pl.BlockSpec((blk, d_out), lambda i: (i, 0)),
      out_shape=jax.ShapeDtypeStruct((n, d_out), jnp.float32),
  )(x, w_r, b_l.reshape(1, d_out))


def _tc_body(part_ref, cnt_ref, xr_ref, wl_ref, o_ref):
  s = part_ref[0] + part_ref[1]
  c = jnp.reshape(cnt_ref[0] + cnt_ref[1], (s.shape[0], 1))
  mean = s / jnp.maximum(c, 1.0)
  z = (lax.dot_general(mean, wl_ref[...], (((1,), (1,)), ((), ())),
                       preferred_element_type=jnp.float32)
       + xr_ref[...])
  m = jnp.max(z, axis=1, keepdims=True)
  e = z - m
  lse = jnp.log(jnp.sum(jnp.exp(e), axis=1, keepdims=True))
  o_ref[...] = e - lse


def _tc_finish(part, cnt, xr, w_l):
  n, d_out = xr.shape
  d_in = w_l.shape[1]
  blk = 2048
  grid = -(-n // blk)
  return pl.pallas_call(
      _tc_body,
      grid=(grid,),
      in_specs=[
          pl.BlockSpec((NCORES, blk, d_in), lambda i: (0, i, 0)),
          pl.BlockSpec((NCORES, blk), lambda i: (0, i)),
          pl.BlockSpec((blk, d_out), lambda i: (i, 0)),
          pl.BlockSpec((d_out, d_in), lambda i: (0, 0)),
      ],
      out_specs=pl.BlockSpec((blk, d_out), lambda i: (i, 0)),
      out_shape=jax.ShapeDtypeStruct((n, d_out), jnp.float32),
  )(part, cnt, xr, w_l)


@jax.jit
def kernel(x, edge_index, W_l, b_l, W_r):
  e = edge_index.shape[1]
  assert e % CHUNK == 0
  xr = _tc_xr(x, W_r, b_l)
  part, cnt = _sc_aggregate(x, edge_index.astype(jnp.int32))
  return _tc_finish(part, cnt, xr, W_l)

# --- scband reference (transcript-rebuilt; emitter-appended) ---
"""Pipeline reference for scband-graph-sage-18004502905473 (READ-ONLY COPY).

The authoritative reference and input builder live on the scoring server;
editing this copy changes nothing except your own understanding.
"""

import jax, jax.numpy as jnp
import numpy as np

N_NODES = 10000
N_EDGES = 320000
D_IN = 128
D_OUT = 128


def setup_inputs(seed: int = 0) -> dict:
    key = jax.random.key(seed)
    k_x, k_e, k_wl, k_bl, k_wr = jax.random.split(key, 5)
    x = jax.random.normal(k_x, (N_NODES, D_IN), dtype=jnp.float32)
    edge_index = jax.random.randint(k_e, (2, N_EDGES), 0, N_NODES, dtype=jnp.int64)
    # SAGEConv params: lin_l (applied to aggregated neighbors, has bias),
    # lin_r (applied to root/self features, no bias)
    scale = 1.0 / np.sqrt(D_IN)
    W_l = jax.random.uniform(k_wl, (D_OUT, D_IN), dtype=jnp.float32, minval=-scale, maxval=scale)
    b_l = jax.random.uniform(k_bl, (D_OUT,), dtype=jnp.float32, minval=-scale, maxval=scale)
    W_r = jax.random.uniform(k_wr, (D_OUT, D_IN), dtype=jnp.float32, minval=-scale, maxval=scale)
    return {"x": x, "edge_index": edge_index, "W_l": W_l, "b_l": b_l, "W_r": W_r}


def reference(x, edge_index, W_l, b_l, W_r):
    # GraphSAGE with a single SAGEConv (mean aggregation), then log_softmax.
    src = edge_index[0]
    dst = edge_index[1]
    # gather source-node features along each edge
    msgs = jnp.take(x, src, axis=0)                      # [E, D_IN]
    # scatter-add into destination nodes (segment sum) for mean aggregation
    summed = jax.ops.segment_sum(msgs, dst, num_segments=N_NODES)  # [N, D_IN]
    counts = jax.ops.segment_sum(jnp.ones((N_EDGES,), dtype=x.dtype), dst, num_segments=N_NODES)
    mean_agg = summed / jnp.clip(counts, 1.0, None)[:, None]
    # out = lin_l(mean_agg) + lin_r(x)
    out = mean_agg @ W_l.T + b_l + x @ W_r.T             # [N, D_OUT]
    return jax.nn.log_softmax(out, axis=1)

if __name__ == "__main__":
    import jax
    _d = setup_inputs()
    print(jax.jit(kernel)(*tuple(_d.values())))

</pallas_src>

<mosaic_0001>
#map = affine_map<(d0, d1) -> (0, 0)>
#map1 = affine_map<(d0, d1) -> (0, 0, 0)>
module attributes {stable_mosaic.version = 14 : i64} {
  func.func @k(%arg0: i32, %arg1: i32, %arg2: memref<10000x128xf32, #tpu.memory_space<hbm>>, %arg3: memref<2x320000xi32, #tpu.memory_space<hbm>>, %arg4: memref<2x10240x128xf32, #tpu.memory_space<hbm>>, %arg5: memref<2x10240xf32, #tpu.memory_space<hbm>>, %arg6: memref<8x2x80xi32, #tpu.memory_space<vmem>>, %arg7: memref<4x80x128xf32, #tpu.memory_space<vmem>>, %arg8: memref<640xf32, #tpu.memory_space<vmem>>, %arg9: memref<80xf32, #tpu.memory_space<vmem>>, %arg10: memref<10240x128xf32, #tpu.memory_space<vmem_shared>>, %arg11: memref<10240xf32, #tpu.memory_space<vmem_shared>>, %arg12: memref<8x!tpu.dma_semaphore, #tpu.memory_space<semaphore_mem>>, %arg13: memref<4x!tpu.dma_semaphore, #tpu.memory_space<semaphore_mem>>, %arg14: memref<4x!tpu.dma_semaphore, #tpu.memory_space<semaphore_mem>>, %arg15: memref<4x!tpu.dma_semaphore, #tpu.memory_space<semaphore_mem>>) attributes {dimension_semantics = [#tpu.dimension_semantics<core_parallel>, #tpu.dimension_semantics<subcore_parallel>], iteration_bounds = array<i64: 2, 16>, scalar_prefetch = 0 : i64, scratch_operands = 10 : i64, tpu.core_type = #tpu.core_type<sc_vector_subcore>, window_params = [{transform_indices = #map}, {transform_indices = #map}, {transform_indices = #map1}, {transform_indices = #map}]} {
    %mul3A = arith.constant 2 : i32
    %mul3A_0 = arith.muli %arg1, %mul3A : i32
    %add3A = arith.addi %mul3A_0, %arg0 : i32
    %sub3A = arith.constant 4000 : i32
    %sub3A_1 = arith.subi %sub3A, %add3A : i32
    %add3A_2 = arith.constant 32 : i32
    %add3A_3 = arith.addi %sub3A_1, %add3A_2 : i32
    %sub3A_4 = arith.constant 1 : i32
    %sub3A_5 = arith.subi %add3A_3, %sub3A_4 : i32
    %jit3A = arith.constant 32 : i32
    %div3A = arith.divsi %sub3A_5, %jit3A : i32
    %sign3A = arith.constant 0 : i32
    %sign3A_6 = arith.cmpi sgt, %sub3A_5, %sign3A : i32
    %sign3A_7 = arith.extui %sign3A_6 : i1 to i32
    %sign3A_8 = arith.constant 0 : i32
    %sign3A_9 = arith.cmpi slt, %sub3A_5, %sign3A_8 : i32
    %sign3A_10 = arith.extui %sign3A_9 : i1 to i32
    %sign3A_11 = arith.subi %sign3A_7, %sign3A_10 : i32
    %sign3A_12 = arith.constant 0 : i32
    %sign3A_13 = arith.cmpi sgt, %jit3A, %sign3A_12 : i32
    %sign3A_14 = arith.extui %sign3A_13 : i1 to i32
    %sign3A_15 = arith.constant 0 : i32
    %sign3A_16 = arith.cmpi slt, %jit3A, %sign3A_15 : i32
    %sign3A_17 = arith.extui %sign3A_16 : i1 to i32
    %sign3A_18 = arith.subi %sign3A_14, %sign3A_17 : i32
    %ne3A = arith.cmpi ne, %sign3A_11, %sign3A_18 : i32
    %rem3A = arith.remsi %sub3A_5, %jit3A : i32
    %ne3A_19 = arith.constant 0 : i32
    %ne3A_20 = arith.cmpi ne, %rem3A, %ne3A_19 : i32
    %and3A = arith.andi %ne3A, %ne3A_20 : i1
    %sub3A_21 = arith.constant 1 : i32
    %sub3A_22 = arith.subi %div3A, %sub3A_21 : i32
    %select_n3A = arith.select %and3A, %sub3A_22, %div3A : i32
    %add3A_23 = arith.constant 0 : i32
    %add3A_24 = arith.addi %add3A, %add3A_23 : i32
    %mul3A_25 = arith.constant 80 : i32
    %mul3A_26 = arith.muli %add3A_24, %mul3A_25 : i32
    %dma_start3A = arith.constant 0 : i32
    %dma_start3A_27 = arith.constant 0 : i32
    %dma_start3A_28 = arith.constant 0 : i32
    %dma_start3A_29 = arith.constant 0 : i32
    %dma_start3A_30 = tpu.memref_slice %arg6[%dma_start3A, %dma_start3A_28, %dma_start3A_29] : memref<8x2x80xi32, #tpu.memory_space<vmem>> -> memref<1x2x80xi32, #tpu.memory_space<vmem>>
    %dma_start3A_31 = tpu.memref_squeeze %dma_start3A_30 : memref<1x2x80xi32, #tpu.memory_space<vmem>> -> memref<2x80xi32, #tpu.memory_space<vmem>>
    %dma_start3A_32 = arith.constant 0 : i32
    %dma_start3A_33 = tpu.memref_slice %arg3[%dma_start3A_32, %mul3A_26] : memref<2x320000xi32, #tpu.memory_space<hbm>> -> memref<2x80xi32, #tpu.memory_space<hbm>>
    %dma_start3A_34 = tpu.memref_slice %arg12[%dma_start3A_27] : memref<8x!tpu.dma_semaphore, #tpu.memory_space<semaphore_mem>> -> memref<1x!tpu.dma_semaphore, #tpu.memory_space<semaphore_mem>>
    %dma_start3A_35 = tpu.memref_squeeze %dma_start3A_34 : memref<1x!tpu.dma_semaphore, #tpu.memory_space<semaphore_mem>> -> memref<!tpu.dma_semaphore, #tpu.memory_space<semaphore_mem>>
    %dma_start3A_36 = arith.constant 0 : i32
    %dma_start3A_37 = arith.constant 0 : i32
    %dma_start3A_38 = tpu.memref_slice %arg6[%dma_start3A, %dma_start3A_36, %dma_start3A_37] : memref<8x2x80xi32, #tpu.memory_space<vmem>> -> memref<1x2x80xi32, #tpu.memory_space<vmem>>
    %dma_start3A_39 = tpu.memref_squeeze %dma_start3A_38 : memref<1x2x80xi32, #tpu.memory_space<vmem>> -> memref<2x80xi32, #tpu.memory_space<vmem>>
    %dma_start3A_40 = arith.constant 0 : i32
    %dma_start3A_41 = tpu.memref_slice %arg3[%dma_start3A_40, %mul3A_26] : memref<2x320000xi32, #tpu.memory_space<hbm>> -> memref<2x80xi32, #tpu.memory_space<hbm>>
    tpu.enqueue_dma source(%dma_start3A_41 : memref<2x80xi32, #tpu.memory_space<hbm>>) target(%dma_start3A_39 : memref<2x80xi32, #tpu.memory_space<vmem>>) target_semaphore(%dma_start3A_35 : memref<!tpu.dma_semaphore, #tpu.memory_space<semaphore_mem>>)
    %add3A_42 = arith.constant 32 : i32
    %add3A_43 = arith.addi %add3A, %add3A_42 : i32
    %mul3A_44 = arith.constant 80 : i32
    %mul3A_45 = arith.muli %add3A_43, %mul3A_44 : i32
    %dma_start3A_46 = arith.constant 1 : i32
    %dma_start3A_47 = arith.constant 1 : i32
    %dma_start3A_48 = arith.constant 0 : i32
    %dma_start3A_49 = arith.constant 0 : i32
    %dma_start3A_50 = tpu.memref_slice %arg6[%dma_start3A_46, %dma_start3A_48, %dma_start3A_49] : memref<8x2x80xi32, #tpu.memory_space<vmem>> -> memref<1x2x80xi32, #tpu.memory_space<vmem>>
    %dma_start3A_51 = tpu.memref_squeeze %dma_start3A_50 : memref<1x2x80xi32, #tpu.memory_space<vmem>> -> memref<2x80xi32, #tpu.memory_space<vmem>>
    %dma_start3A_52 = arith.constant 0 : i32
    %dma_start3A_53 = tpu.memref_slice %arg3[%dma_start3A_52, %mul3A_45] : memref<2x320000xi32, #tpu.memory_space<hbm>> -> memref<2x80xi32, #tpu.memory_space<hbm>>
    %dma_start3A_54 = tpu.memref_slice %arg12[%dma_start3A_47] : memref<8x!tpu.dma_semaphore, #tpu.memory_space<semaphore_mem>> -> memref<1x!tpu.dma_semaphore, #tpu.memory_space<semaphore_mem>>
    %dma_start3A_55 = tpu.memref_squeeze %dma_start3A_54 : memref<1x!tpu.dma_semaphore, #tpu.memory_space<semaphore_mem>> -> memref<!tpu.dma_semaphore, #tpu.memory_space<semaphore_mem>>
    %dma_start3A_56 = arith.constant 0 : i32
    %dma_start3A_57 = arith.constant 0 : i32
    %dma_start3A_58 = tpu.memref_slice %arg6[%dma_start3A_46, %dma_start3A_56, %dma_start3A_57] : memref<8x2x80xi32, #tpu.memory_space<vmem>> -> memref<1x2x80xi32, #tpu.memory_space<vmem>>
    %dma_start3A_59 = tpu.memref_squeeze %dma_start3A_58 : memref<1x2x80xi32, #tpu.memory_space<vmem>> -> memref<2x80xi32, #tpu.memory_space<vmem>>
    %dma_start3A_60 = arith.constant 0 : i32
    %dma_start3A_61 = tpu.memref_slice %arg3[%dma_start3A_60, %mul3A_45] : memref<2x320000xi32, #tpu.memory_space<hbm>> -> memref<2x80xi32, #tpu.memory_space<hbm>>
    tpu.enqueue_dma source(%dma_start3A_61 : memref<2x80xi32, #tpu.memory_space<hbm>>) target(%dma_start3A_59 : memref<2x80xi32, #tpu.memory_space<vmem>>) target_semaphore(%dma_start3A_55 : memref<!tpu.dma_semaphore, #tpu.memory_space<semaphore_mem>>)
    %add3A_62 = arith.constant 64 : i32
    %add3A_63 = arith.addi %add3A, %add3A_62 : i32
    %mul3A_64 = arith.constant 80 : i32
    %mul3A_65 = arith.muli %add3A_63, %mul3A_64 : i32
    %dma_start3A_66 = arith.constant 2 : i32
    %dma_start3A_67 = arith.constant 2 : i32
    %dma_start3A_68 = arith.constant 0 : i32
    %dma_start3A_69 = arith.constant 0 : i32
    %dma_start3A_70 = tpu.memref_slice %arg6[%dma_start3A_66, %dma_start3A_68, %dma_start3A_69] : memref<8x2x80xi32, #tpu.memory_space<vmem>> -> memref<1x2x80xi32, #tpu.memory_space<vmem>>
    %dma_start3A_71 = tpu.memref_squeeze %dma_start3A_70 : memref<1x2x80xi32, #tpu.memory_space<vmem>> -> memref<2x80xi32, #tpu.memory_space<vmem>>
    %dma_start3A_72 = arith.constant 0 : i32
    %dma_start3A_73 = tpu.memref_slice %arg3[%dma_start3A_72, %mul3A_65] : memref<2x320000xi32, #tpu.memory_space<hbm>> -> memref<2x80xi32, #tpu.memory_space<hbm>>
    %dma_start3A_74 = tpu.memref_slice %arg12[%dma_start3A_67] : memref<8x!tpu.dma_semaphore, #tpu.memory_space<semaphore_mem>> -> memref<1x!tpu.dma_semaphore, #tpu.memory_space<semaphore_mem>>
    %dma_start3A_75 = tpu.memref_squeeze %dma_start3A_74 : memref<1x!tpu.dma_semaphore, #tpu.memory_space<semaphore_mem>> -> memref<!tpu.dma_semaphore, #tpu.memory_space<semaphore_mem>>
    %dma_start3A_76 = arith.constant 0 : i32
    %dma_start3A_77 = arith.constant 0 : i32
    %dma_start3A_78 = tpu.memref_slice %arg6[%dma_start3A_66, %dma_start3A_76, %dma_start3A_77] : memref<8x2x80xi32, #tpu.memory_space<vmem>> -> memref<1x2x80xi32, #tpu.memory_space<vmem>>
    %dma_start3A_79 = tpu.memref_squeeze %dma_start3A_78 : memref<1x2x80xi32, #tpu.memory_space<vmem>> -> memref<2x80xi32, #tpu.memory_space<vmem>>
    %dma_start3A_80 = arith.constant 0 : i32
    %dma_start3A_81 = tpu.memref_slice %arg3[%dma_start3A_80, %mul3A_65] : memref<2x320000xi32, #tpu.memory_space<hbm>> -> memref<2x80xi32, #tpu.memory_space<hbm>>
    tpu.enqueue_dma source(%dma_start3A_81 : memref<2x80xi32, #tpu.memory_space<hbm>>) target(%dma_start3A_79 : memref<2x80xi32, #tpu.memory_space<vmem>>) target_semaphore(%dma_start3A_75 : memref<!tpu.dma_semaphore, #tpu.memory_space<semaphore_mem>>)
    %add3A_82 = arith.constant 96 : i32
    %add3A_83 = arith.addi %add3A, %add3A_82 : i32
    %mul3A_84 = arith.constant 80 : i32
    %mul3A_85 = arith.muli %add3A_83, %mul3A_84 : i32
    %dma_start3A_86 = arith.constant 3 : i32
    %dma_start3A_87 = arith.constant 3 : i32
    %dma_start3A_88 = arith.constant 0 : i32
    %dma_start3A_89 = arith.constant 0 : i32
    %dma_start3A_90 = tpu.memref_slice %arg6[%dma_start3A_86, %dma_start3A_88, %dma_start3A_89] : memref<8x2x80xi32, #tpu.memory_space<vmem>> -> memref<1x2x80xi32, #tpu.memory_space<vmem>>
    %dma_start3A_91 = tpu.memref_squeeze %dma_start3A_90 : memref<1x2x80xi32, #tpu.memory_space<vmem>> -> memref<2x80xi32, #tpu.memory_space<vmem>>
    %dma_start3A_92 = arith.constant 0 : i32
    %dma_start3A_93 = tpu.memref_slice %arg3[%dma_start3A_92, %mul3A_85] : memref<2x320000xi32, #tpu.memory_space<hbm>> -> memref<2x80xi32, #tpu.memory_space<hbm>>
    %dma_start3A_94 = tpu.memref_slice %arg12[%dma_start3A_87] : memref<8x!tpu.dma_semaphore, #tpu.memory_space<semaphore_mem>> -> memref<1x!tpu.dma_semaphore, #tpu.memory_space<semaphore_mem>>
    %dma_start3A_95 = tpu.memref_squeeze %dma_start3A_94 : memref<1x!tpu.dma_semaphore, #tpu.memory_space<semaphore_mem>> -> memref<!tpu.dma_semaphore, #tpu.memory_space<semaphore_mem>>
    %dma_start3A_96 = arith.constant 0 : i32
    %dma_start3A_97 = arith.constant 0 : i32
    %dma_start3A_98 = tpu.memref_slice %arg6[%dma_start3A_86, %dma_start3A_96, %dma_start3A_97] : memref<8x2x80xi32, #tpu.memory_space<vmem>> -> memref<1x2x80xi32, #tpu.memory_space<vmem>>
    %dma_start3A_99 = tpu.memref_squeeze %dma_start3A_98 : memref<1x2x80xi32, #tpu.memory_space<vmem>> -> memref<2x80xi32, #tpu.memory_space<vmem>>
    %dma_start3A_100 = arith.constant 0 : i32
    %dma_start3A_101 = tpu.memref_slice %arg3[%dma_start3A_100, %mul3A_85] : memref<2x320000xi32, #tpu.memory_space<hbm>> -> memref<2x80xi32, #tpu.memory_space<hbm>>
    tpu.enqueue_dma source(%dma_start3A_101 : memref<2x80xi32, #tpu.memory_space<hbm>>) target(%dma_start3A_99 : memref<2x80xi32, #tpu.memory_space<vmem>>) target_semaphore(%dma_start3A_95 : memref<!tpu.dma_semaphore, #tpu.memory_space<semaphore_mem>>)
    %add3A_102 = arith.constant 128 : i32
    %add3A_103 = arith.addi %add3A, %add3A_102 : i32
    %mul3A_104 = arith.constant 80 : i32
    %mul3A_105 = arith.muli %add3A_103, %mul3A_104 : i32
    %dma_start3A_106 = arith.constant 4 : i32
    %dma_start3A_107 = arith.constant 4 : i32
    %dma_start3A_108 = arith.constant 0 : i32
    %dma_start3A_109 = arith.constant 0 : i32
    %dma_start3A_110 = tpu.memref_slice %arg6[%dma_start3A_106, %dma_start3A_108, %dma_start3A_109] : memref<8x2x80xi32, #tpu.memory_space<vmem>> -> memref<1x2x80xi32, #tpu.memory_space<vmem>>
    %dma_start3A_111 = tpu.memref_squeeze %dma_start3A_110 : memref<1x2x80xi32, #tpu.memory_space<vmem>> -> memref<2x80xi32, #tpu.memory_space<vmem>>
    %dma_start3A_112 = arith.constant 0 : i32
    %dma_start3A_113 = tpu.memref_slice %arg3[%dma_start3A_112, %mul3A_105] : memref<2x320000xi32, #tpu.memory_space<hbm>> -> memref<2x80xi32, #tpu.memory_space<hbm>>
    %dma_start3A_114 = tpu.memref_slice %arg12[%dma_start3A_107] : memref<8x!tpu.dma_semaphore, #tpu.memory_space<semaphore_mem>> -> memref<1x!tpu.dma_semaphore, #tpu.memory_space<semaphore_mem>>
    %dma_start3A_115 = tpu.memref_squeeze %dma_start3A_114 : memref<1x!tpu.dma_semaphore, #tpu.memory_space<semaphore_mem>> -> memref<!tpu.dma_semaphore, #tpu.memory_space<semaphore_mem>>
    %dma_start3A_116 = arith.constant 0 : i32
    %dma_start3A_117 = arith.constant 0 : i32
    %dma_start3A_118 = tpu.memref_slice %arg6[%dma_start3A_106, %dma_start3A_116, %dma_start3A_117] : memref<8x2x80xi32, #tpu.memory_space<vmem>> -> memref<1x2x80xi32, #tpu.memory_space<vmem>>
    %dma_start3A_119 = tpu.memref_squeeze %dma_start3A_118 : memref<1x2x80xi32, #tpu.memory_space<vmem>> -> memref<2x80xi32, #tpu.memory_space<vmem>>
    %dma_start3A_120 = arith.constant 0 : i32
    %dma_start3A_121 = tpu.memref_slice %arg3[%dma_start3A_120, %mul3A_105] : memref<2x320000xi32, #tpu.memory_space<hbm>> -> memref<2x80xi32, #tpu.memory_space<hbm>>
    tpu.enqueue_dma source(%dma_start3A_121 : memref<2x80xi32, #tpu.memory_space<hbm>>) target(%dma_start3A_119 : memref<2x80xi32, #tpu.memory_space<vmem>>) target_semaphore(%dma_start3A_115 : memref<!tpu.dma_semaphore, #tpu.memory_space<semaphore_mem>>)
    %scan3A = arith.constant 0 : i32
    %scan3A_122 = arith.constant 0 : i32
    %scan3A_123 = arith.constant 64 : i32
    %scan3A_124 = arith.addi %scan3A_122, %scan3A_123 : i32
    %scan3A_125 = arith.constant 1 : i32
    %scan3A_126 = scf.for %scan3A_393 = %scan3A_122 to %scan3A_124 step %scan3A_125 iter_args(%scan3A_394 = %scan3A) -> (i32)  : i32 {
      %broadcast_in_dim3A_395 = arith.constant 0.000000e+00 : f32
      %broadcast_in_dim3A_396 = vector.broadcast %broadcast_in_dim3A_395 : f32 to vector<16xf32>
      %swap3A_397 = arith.constant 3 : i32
      %swap3A_398 = arith.index_cast %swap3A_397 : i32 to index
      %swap3A_399 = arith.index_cast %scan3A_393 : i32 to index
      %swap3A_400 = arith.constant 0 : index
      %swap3A_401 = tpu.vector_load %arg7[%swap3A_398, %swap3A_399, %swap3A_400] {strides = array<i32>} : memref<4x80x128xf32, #tpu.memory_space<vmem>>, vector<1x1x16xf32>,
      %swap3A_402 = vector.shape_cast %swap3A_401 : vector<1x1x16xf32> to vector<16xf32>
      %swap3A_403 = vector.shape_cast %broadcast_in_dim3A_396 : vector<16xf32> to vector<1x1x16xf32>
      tpu.vector_store %arg7[%swap3A_398, %swap3A_399, %swap3A_400], %swap3A_403 {strides = array<i32>} : memref<4x80x128xf32, #tpu.memory_space<vmem>>, vector<1x1x16xf32>,
      %broadcast_in_dim3A_404 = arith.constant 0.000000e+00 : f32
      %broadcast_in_dim3A_405 = vector.broadcast %broadcast_in_dim3A_404 : f32 to vector<16xf32>
      %swap3A_406 = arith.constant 3 : i32
      %swap3A_407 = arith.index_cast %swap3A_406 : i32 to index
      %swap3A_408 = arith.index_cast %scan3A_393 : i32 to index
      %swap3A_409 = arith.constant 16 : index
      %swap3A_410 = tpu.vector_load %arg7[%swap3A_407, %swap3A_408, %swap3A_409] {strides = array<i32>} : memref<4x80x128xf32, #tpu.memory_space<vmem>>, vector<1x1x16xf32>,
      %swap3A_411 = vector.shape_cast %swap3A_410 : vector<1x1x16xf32> to vector<16xf32>
      %swap3A_412 = vector.shape_cast %broadcast_in_dim3A_405 : vector<16xf32> to vector<1x1x16xf32>
      tpu.vector_store %arg7[%swap3A_407, %swap3A_408, %swap3A_409], %swap3A_412 {strides = array<i32>} : memref<4x80x128xf32, #tpu.memory_space<vmem>>, vector<1x1x16xf32>,
      %broadcast_in_dim3A_413 = arith.constant 0.000000e+00 : f32
      %broadcast_in_dim3A_414 = vector.broadcast %broadcast_in_dim3A_413 : f32 to vector<16xf32>
      %swap3A_415 = arith.constant 3 : i32
      %swap3A_416 = arith.index_cast %swap3A_415 : i32 to index
      %swap3A_417 = arith.index_cast %scan3A_393 : i32 to index
      %swap3A_418 = arith.constant 32 : index
      %swap3A_419 = tpu.vector_load %arg7[%swap3A_416, %swap3A_417, %swap3A_418] {strides = array<i32>} : memref<4x80x128xf32, #tpu.memory_space<vmem>>, vector<1x1x16xf32>,
      %swap3A_420 = vector.shape_cast %swap3A_419 : vector<1x1x16xf32> to vector<16xf32>
      %swap3A_421 = vector.shape_cast %broadcast_in_dim3A_414 : vector<16xf32> to vector<1x1x16xf32>
      tpu.vector_store %arg7[%swap3A_416, %swap3A_417, %swap3A_418], %swap3A_421 {strides = array<i32>} : memref<4x80x128xf32, #tpu.memory_space<vmem>>, vector<1x1x16xf32>,
      %broadcast_in_dim3A_422 = arith.constant 0.000000e+00 : f32
      %broadcast_in_dim3A_423 = vector.broadcast %broadcast_in_dim3A_422 : f32 to vector<16xf32>
      %swap3A_424 = arith.constant 3 : i32
      %swap3A_425 = arith.index_cast %swap3A_424 : i32 to index
      %swap3A_426 = arith.index_cast %scan3A_393 : i32 to index
      %swap3A_427 = arith.constant 48 : index
      %swap3A_428 = tpu.vector_load %arg7[%swap3A_425, %swap3A_426, %swap3A_427] {strides = array<i32>} : memref<4x80x128xf32, #tpu.memory_space<vmem>>, vector<1x1x16xf32>,
      %swap3A_429 = vector.shape_cast %swap3A_428 : vector<1x1x16xf32> to vector<16xf32>
      %swap3A_430 = vector.shape_cast %broadcast_in_dim3A_423 : vector<16xf32> to vector<1x1x16xf32>
      tpu.vector_store %arg7[%swap3A_425, %swap3A_426, %swap3A_427], %swap3A_430 {strides = array<i32>} : memref<4x80x128xf32, #tpu.memory_space<vmem>>, vector<1x1x16xf32>,
      %broadcast_in_dim3A_431 = arith.constant 0.000000e+00 : f32
      %broadcast_in_dim3A_432 = vector.broadcast %broadcast_in_dim3A_431 : f32 to vector<16xf32>
      %swap3A_433 = arith.constant 3 : i32
      %swap3A_434 = arith.index_cast %swap3A_433 : i32 to index
      %swap3A_435 = arith.index_cast %scan3A_393 : i32 to index
      %swap3A_436 = arith.constant 64 : index
      %swap3A_437 = tpu.vector_load %arg7[%swap3A_434, %swap3A_435, %swap3A_436] {strides = array<i32>} : memref<4x80x128xf32, #tpu.memory_space<vmem>>, vector<1x1x16xf32>,
      %swap3A_438 = vector.shape_cast %swap3A_437 : vector<1x1x16xf32> to vector<16xf32>
      %swap3A_439 = vector.shape_cast %broadcast_in_dim3A_432 : vector<16xf32> to vector<1x1x16xf32>
      tpu.vector_store %arg7[%swap3A_434, %swap3A_435, %swap3A_436], %swap3A_439 {strides = array<i32>} : memref<4x80x128xf32, #tpu.memory_space<vmem>>, vector<1x1x16xf32>,
      %broadcast_in_dim3A_440 = arith.constant 0.000000e+00 : f32
      %broadcast_in_dim3A_441 = vector.broadcast %broadcast_in_dim3A_440 : f32 to vector<16xf32>
      %swap3A_442 = arith.constant 3 : i32
      %swap3A_443 = arith.index_cast %swap3A_442 : i32 to index
      %swap3A_444 = arith.index_cast %scan3A_393 : i32 to index
      %swap3A_445 = arith.constant 80 : index
      %swap3A_446 = tpu.vector_load %arg7[%swap3A_443, %swap3A_444, %swap3A_445] {strides = array<i32>} : memref<4x80x128xf32, #tpu.memory_space<vmem>>, vector<1x1x16xf32>,
      %swap3A_447 = vector.shape_cast %swap3A_446 : vector<1x1x16xf32> to vector<16xf32>
      %swap3A_448 = vector.shape_cast %broadcast_in_dim3A_441 : vector<16xf32> to vector<1x1x16xf32>
      tpu.vector_store %arg7[%swap3A_443, %swap3A_444, %swap3A_445], %swap3A_448 {strides = array<i32>} : memref<4x80x128xf32, #tpu.memory_space<vmem>>, vector<1x1x16xf32>,
      %broadcast_in_dim3A_449 = arith.constant 0.000000e+00 : f32
      %broadcast_in_dim3A_450 = vector.broadcast %broadcast_in_dim3A_449 : f32 to vector<16xf32>
      %swap3A_451 = arith.constant 3 : i32
      %swap3A_452 = arith.index_cast %swap3A_451 : i32 to index
      %swap3A_453 = arith.index_cast %scan3A_393 : i32 to index
      %swap3A_454 = arith.constant 96 : index
      %swap3A_455 = tpu.vector_load %arg7[%swap3A_452, %swap3A_453, %swap3A_454] {strides = array<i32>} : memref<4x80x128xf32, #tpu.memory_space<vmem>>, vector<1x1x16xf32>,
      %swap3A_456 = vector.shape_cast %swap3A_455 : vector<1x1x16xf32> to vector<16xf32>
      %swap3A_457 = vector.shape_cast %broadcast_in_dim3A_450 : vector<16xf32> to vector<1x1x16xf32>
      tpu.vector_store %arg7[%swap3A_452, %swap3A_453, %swap3A_454], %swap3A_457 {strides = array<i32>} : memref<4x80x128xf32, #tpu.memory_space<vmem>>, vector<1x1x16xf32>,
      %broadcast_in_dim3A_458 = arith.constant 0.000000e+00 : f32
      %broadcast_in_dim3A_459 = vector.broadcast %broadcast_in_dim3A_458 : f32 to vector<16xf32>
      %swap3A_460 = arith.constant 3 : i32
      %swap3A_461 = arith.index_cast %swap3A_460 : i32 to index
      %swap3A_462 = arith.index_cast %scan3A_393 : i32 to index
      %swap3A_463 = arith.constant 112 : index
      %swap3A_464 = tpu.vector_load %arg7[%swap3A_461, %swap3A_462, %swap3A_463] {strides = array<i32>} : memref<4x80x128xf32, #tpu.memory_space<vmem>>, vector<1x1x16xf32>,
      %swap3A_465 = vector.shape_cast %swap3A_464 : vector<1x1x16xf32> to vector<16xf32>
      %swap3A_466 = vector.shape_cast %broadcast_in_dim3A_459 : vector<16xf32> to vector<1x1x16xf32>
      tpu.vector_store %arg7[%swap3A_461, %swap3A_462, %swap3A_463], %swap3A_466 {strides = array<i32>} : memref<4x80x128xf32, #tpu.memory_space<vmem>>, vector<1x1x16xf32>,
      %scan3A_467 = arith.constant 0 : i32
      scf.yield %scan3A_467 : i32
    }
    %scan3A_127 = arith.constant 64 : i32
    %rem3A_128 = arith.constant 0 : i32
    %rem3A_129 = arith.constant 8 : i32
    %rem3A_130 = arith.remsi %rem3A_128, %rem3A_129 : i32
    %dma_wait3A = arith.constant 0 : i32
    %dma_wait3A_131 = arith.constant 0 : i32
    %dma_wait3A_132 = tpu.memref_slice %arg6[%rem3A_130, %dma_wait3A, %dma_wait3A_131] : memref<8x2x80xi32, #tpu.memory_space<vmem>> -> memref<1x2x80xi32, #tpu.memory_space<vmem>>
    %dma_wait3A_133 = tpu.memref_squeeze %dma_wait3A_132 : memref<1x2x80xi32, #tpu.memory_space<vmem>> -> memref<2x80xi32, #tpu.memory_space<vmem>>
    %dma_wait3A_134 = arith.constant 0 : i32
    %dma_wait3A_135 = arith.constant 0 : i32
    %dma_wait3A_136 = tpu.memref_slice %arg3[%dma_wait3A_134, %dma_wait3A_135] : memref<2x320000xi32, #tpu.memory_space<hbm>> -> memref<2x80xi32, #tpu.memory_space<hbm>>
    %dma_wait3A_137 = tpu.memref_slice %arg12[%rem3A_130] : memref<8x!tpu.dma_semaphore, #tpu.memory_space<semaphore_mem>> -> memref<1x!tpu.dma_semaphore, #tpu.memory_space<semaphore_mem>>
    %dma_wait3A_138 = tpu.memref_squeeze %dma_wait3A_137 : memref<1x!tpu.dma_semaphore, #tpu.memory_space<semaphore_mem>> -> memref<!tpu.dma_semaphore, #tpu.memory_space<semaphore_mem>>
    %dma_wait3A_139 = arith.constant 0 : i32
    %dma_wait3A_140 = arith.constant 0 : i32
    %dma_wait3A_141 = tpu.memref_slice %arg6[%rem3A_130, %dma_wait3A_139, %dma_wait3A_140] : memref<8x2x80xi32, #tpu.memory_space<vmem>> -> memref<1x2x80xi32, #tpu.memory_space<vmem>>
    %dma_wait3A_142 = tpu.memref_squeeze %dma_wait3A_141 : memref<1x2x80xi32, #tpu.memory_space<vmem>> -> memref<2x80xi32, #tpu.memory_space<vmem>>
    %dma_wait3A_143 = arith.constant 0 : i32
    %dma_wait3A_144 = arith.constant 0 : i32
    %dma_wait3A_145 = tpu.memref_slice %arg3[%dma_wait3A_143, %dma_wait3A_144] : memref<2x320000xi32, #tpu.memory_space<hbm>> -> memref<2x80xi32, #tpu.memory_space<hbm>>
    tpu.wait_dma2 semaphore(%dma_wait3A_138 : memref<!tpu.dma_semaphore, #tpu.memory_space<semaphore_mem>>) src(%dma_wait3A_145 : memref<2x80xi32, #tpu.memory_space<hbm>>) dst(%dma_wait3A_142 : memref<2x80xi32, #tpu.memory_space<vmem>>)
    %dma_start3A_146 = arith.constant 0 : i32
    %dma_start3A_147 = arith.constant 0 : i32
    %dma_start3A_148 = arith.constant 0 : i32
    %dma_start3A_149 = arith.constant 0 : i32
    %dma_start3A_150 = arith.constant 0 : i32
    %dma_start3A_151 = tpu.memref_slice %arg7[%dma_start3A_147, %dma_start3A_149, %dma_start3A_150] : memref<4x80x128xf32, #tpu.memory_space<vmem>> -> memref<1x80x128xf32, #tpu.memory_space<vmem>>
    %dma_start3A_152 = tpu.memref_squeeze %dma_start3A_151 : memref<1x80x128xf32, #tpu.memory_space<vmem>> -> memref<80x128xf32, #tpu.memory_space<vmem>>
    %dma_start3A_153 = arith.constant 0 : i32
    %dma_start3A_154 = tpu.memref_slice %arg6[%rem3A_130, %dma_start3A_146, %dma_start3A_153] : memref<8x2x80xi32, #tpu.memory_space<vmem>> -> memref<1x1x80xi32, #tpu.memory_space<vmem>>
    %dma_start3A_155 = tpu.memref_squeeze %dma_start3A_154 : memref<1x1x80xi32, #tpu.memory_space<vmem>> -> memref<80xi32, #tpu.memory_space<vmem>>
    %dma_start3A_156 = arith.constant 0 : i32
    %dma_start3A_157 = arith.constant 0 : i32
    %dma_start3A_158 = tpu.memref_slice %arg2[%dma_start3A_156, %dma_start3A_157] : memref<10000x128xf32, #tpu.memory_space<hbm>> -> memref<10000x128xf32, #tpu.memory_space<hbm>>
    %dma_start3A_159 = tpu.memref_slice %arg13[%dma_start3A_148] : memref<4x!tpu.dma_semaphore, #tpu.memory_space<semaphore_mem>> -> memref<1x!tpu.dma_semaphore, #tpu.memory_space<semaphore_mem>>
    %dma_start3A_160 = tpu.memref_squeeze %dma_start3A_159 : memref<1x!tpu.dma_semaphore, #tpu.memory_space<semaphore_mem>> -> memref<!tpu.dma_semaphore, #tpu.memory_space<semaphore_mem>>
    tpu.enqueue_indirect_dma source(%dma_start3A_158 : memref<10000x128xf32, #tpu.memory_space<hbm>>) target(%dma_start3A_152 : memref<80x128xf32, #tpu.memory_space<vmem>>) offsets(%dma_start3A_155 : memref<80xi32, #tpu.memory_space<vmem>>) semaphore(%dma_start3A_160 : memref<!tpu.dma_semaphore, #tpu.memory_space<semaphore_mem>>)
    %rem3A_161 = arith.constant 1 : i32
    %rem3A_162 = arith.constant 8 : i32
    %rem3A_163 = arith.remsi %rem3A_161, %rem3A_162 : i32
    %dma_wait3A_164 = arith.constant 0 : i32
    %dma_wait3A_165 = arith.constant 0 : i32
    %dma_wait3A_166 = tpu.memref_slice %arg6[%rem3A_163, %dma_wait3A_164, %dma_wait3A_165] : memref<8x2x80xi32, #tpu.memory_space<vmem>> -> memref<1x2x80xi32, #tpu.memory_space<vmem>>
    %dma_wait3A_167 = tpu.memref_squeeze %dma_wait3A_166 : memref<1x2x80xi32, #tpu.memory_space<vmem>> -> memref<2x80xi32, #tpu.memory_space<vmem>>
    %dma_wait3A_168 = arith.constant 0 : i32
    %dma_wait3A_169 = arith.constant 0 : i32
    %dma_wait3A_170 = tpu.memref_slice %arg3[%dma_wait3A_168, %dma_wait3A_169] : memref<2x320000xi32, #tpu.memory_space<hbm>> -> memref<2x80xi32, #tpu.memory_space<hbm>>
    %dma_wait3A_171 = tpu.memref_slice %arg12[%rem3A_163] : memref<8x!tpu.dma_semaphore, #tpu.memory_space<semaphore_mem>> -> memref<1x!tpu.dma_semaphore, #tpu.memory_space<semaphore_mem>>
    %dma_wait3A_172 = tpu.memref_squeeze %dma_wait3A_171 : memref<1x!tpu.dma_semaphore, #tpu.memory_space<semaphore_mem>> -> memref<!tpu.dma_semaphore, #tpu.memory_space<semaphore_mem>>
    %dma_wait3A_173 = arith.constant 0 : i32
    %dma_wait3A_174 = arith.constant 0 : i32
    %dma_wait3A_175 = tpu.memref_slice %arg6[%rem3A_163, %dma_wait3A_173, %dma_wait3A_174] : memref<8x2x80xi32, #tpu.memory_space<vmem>> -> memref<1x2x80xi32, #tpu.memory_space<vmem>>
    %dma_wait3A_176 = tpu.memref_squeeze %dma_wait3A_175 : memref<1x2x80xi32, #tpu.memory_space<vmem>> -> memref<2x80xi32, #tpu.memory_space<vmem>>
    %dma_wait3A_177 = arith.constant 0 : i32
    %dma_wait3A_178 = arith.constant 0 : i32
    %dma_wait3A_179 = tpu.memref_slice %arg3[%dma_wait3A_177, %dma_wait3A_178] : memref<2x320000xi32, #tpu.memory_space<hbm>> -> memref<2x80xi32, #tpu.memory_space<hbm>>
    tpu.wait_dma2 semaphore(%dma_wait3A_172 : memref<!tpu.dma_semaphore, #tpu.memory_space<semaphore_mem>>) src(%dma_wait3A_179 : memref<2x80xi32, #tpu.memory_space<hbm>>) dst(%dma_wait3A_176 : memref<2x80xi32, #tpu.memory_space<vmem>>)
    %dma_start3A_180 = arith.constant 0 : i32
    %dma_start3A_181 = arith.constant 1 : i32
    %dma_start3A_182 = arith.constant 1 : i32
    %dma_start3A_183 = arith.constant 0 : i32
    %dma_start3A_184 = arith.constant 0 : i32
    %dma_start3A_185 = tpu.memref_slice %arg7[%dma_start3A_181, %dma_start3A_183, %dma_start3A_184] : memref<4x80x128xf32, #tpu.memory_space<vmem>> -> memref<1x80x128xf32, #tpu.memory_space<vmem>>
    %dma_start3A_186 = tpu.memref_squeeze %dma_start3A_185 : memref<1x80x128xf32, #tpu.memory_space<vmem>> -> memref<80x128xf32, #tpu.memory_space<vmem>>
    %dma_start3A_187 = arith.constant 0 : i32
    %dma_start3A_188 = tpu.memref_slice %arg6[%rem3A_163, %dma_start3A_180, %dma_start3A_187] : memref<8x2x80xi32, #tpu.memory_space<vmem>> -> memref<1x1x80xi32, #tpu.memory_space<vmem>>
    %dma_start3A_189 = tpu.memref_squeeze %dma_start3A_188 : memref<1x1x80xi32, #tpu.memory_space<vmem>> -> memref<80xi32, #tpu.memory_space<vmem>>
    %dma_start3A_190 = arith.constant 0 : i32
    %dma_start3A_191 = arith.constant 0 : i32
    %dma_start3A_192 = tpu.memref_slice %arg2[%dma_start3A_190, %dma_start3A_191] : memref<10000x128xf32, #tpu.memory_space<hbm>> -> memref<10000x128xf32, #tpu.memory_space<hbm>>
    %dma_start3A_193 = tpu.memref_slice %arg13[%dma_start3A_182] : memref<4x!tpu.dma_semaphore, #tpu.memory_space<semaphore_mem>> -> memref<1x!tpu.dma_semaphore, #tpu.memory_space<semaphore_mem>>
    %dma_start3A_194 = tpu.memref_squeeze %dma_start3A_193 : memref<1x!tpu.dma_semaphore, #tpu.memory_space<semaphore_mem>> -> memref<!tpu.dma_semaphore, #tpu.memory_space<semaphore_mem>>
    tpu.enqueue_indirect_dma source(%dma_start3A_192 : memref<10000x128xf32, #tpu.memory_space<hbm>>) target(%dma_start3A_186 : memref<80x128xf32, #tpu.memory_space<vmem>>) offsets(%dma_start3A_189 : memref<80xi32, #tpu.memory_space<vmem>>) semaphore(%dma_start3A_194 : memref<!tpu.dma_semaphore, #tpu.memory_space<semaphore_mem>>)
    %rem3A_195 = arith.constant 2 : i32
    %rem3A_196 = arith.constant 8 : i32
    %rem3A_197 = arith.remsi %rem3A_195, %rem3A_196 : i32
    %dma_wait3A_198 = arith.constant 0 : i32
    %dma_wait3A_199 = arith.constant 0 : i32
    %dma_wait3A_200 = tpu.memref_slice %arg6[%rem3A_197, %dma_wait3A_198, %dma_wait3A_199] : memref<8x2x80xi32, #tpu.memory_space<vmem>> -> memref<1x2x80xi32, #tpu.memory_space<vmem>>
    %dma_wait3A_201 = tpu.memref_squeeze %dma_wait3A_200 : memref<1x2x80xi32, #tpu.memory_space<vmem>> -> memref<2x80xi32, #tpu.memory_space<vmem>>
    %dma_wait3A_202 = arith.constant 0 : i32
    %dma_wait3A_203 = arith.constant 0 : i32
    %dma_wait3A_204 = tpu.memref_slice %arg3[%dma_wait3A_202, %dma_wait3A_203] : memref<2x320000xi32, #tpu.memory_space<hbm>> -> memref<2x80xi32, #tpu.memory_space<hbm>>
    %dma_wait3A_205 = tpu.memref_slice %arg12[%rem3A_197] : memref<8x!tpu.dma_semaphore, #tpu.memory_space<semaphore_mem>> -> memref<1x!tpu.dma_semaphore, #tpu.memory_space<semaphore_mem>>
    %dma_wait3A_206 = tpu.memref_squeeze %dma_wait3A_205 : memref<1x!tpu.dma_semaphore, #tpu.memory_space<semaphore_mem>> -> memref<!tpu.dma_semaphore, #tpu.memory_space<semaphore_mem>>
    %dma_wait3A_207 = arith.constant 0 : i32
    %dma_wait3A_208 = arith.constant 0 : i32
    %dma_wait3A_209 = tpu.memref_slice %arg6[%rem3A_197, %dma_wait3A_207, %dma_wait3A_208] : memref<8x2x80xi32, #tpu.memory_space<vmem>> -> memref<1x2x80xi32, #tpu.memory_space<vmem>>
    %dma_wait3A_210 = tpu.memref_squeeze %dma_wait3A_209 : memref<1x2x80xi32, #tpu.memory_space<vmem>> -> memref<2x80xi32, #tpu.memory_space<vmem>>
    %dma_wait3A_211 = arith.constant 0 : i32
    %dma_wait3A_212 = arith.constant 0 : i32
    %dma_wait3A_213 = tpu.memref_slice %arg3[%dma_wait3A_211, %dma_wait3A_212] : memref<2x320000xi32, #tpu.memory_space<hbm>> -> memref<2x80xi32, #tpu.memory_space<hbm>>
    tpu.wait_dma2 semaphore(%dma_wait3A_206 : memref<!tpu.dma_semaphore, #tpu.memory_space<semaphore_mem>>) src(%dma_wait3A_213 : memref<2x80xi32, #tpu.memory_space<hbm>>) dst(%dma_wait3A_210 : memref<2x80xi32, #tpu.memory_space<vmem>>)
    %dma_start3A_214 = arith.constant 0 : i32
    %dma_start3A_215 = arith.constant 2 : i32
    %dma_start3A_216 = arith.constant 2 : i32
    %dma_start3A_217 = arith.constant 0 : i32
    %dma_start3A_218 = arith.constant 0 : i32
    %dma_start3A_219 = tpu.memref_slice %arg7[%dma_start3A_215, %dma_start3A_217, %dma_start3A_218] : memref<4x80x128xf32, #tpu.memory_space<vmem>> -> memref<1x80x128xf32, #tpu.memory_space<vmem>>
    %dma_start3A_220 = tpu.memref_squeeze %dma_start3A_219 : memref<1x80x128xf32, #tpu.memory_space<vmem>> -> memref<80x128xf32, #tpu.memory_space<vmem>>
    %dma_start3A_221 = arith.constant 0 : i32
    %dma_start3A_222 = tpu.memref_slice %arg6[%rem3A_197, %dma_start3A_214, %dma_start3A_221] : memref<8x2x80xi32, #tpu.memory_space<vmem>> -> memref<1x1x80xi32, #tpu.memory_space<vmem>>
    %dma_start3A_223 = tpu.memref_squeeze %dma_start3A_222 : memref<1x1x80xi32, #tpu.memory_space<vmem>> -> memref<80xi32, #tpu.memory_space<vmem>>
    %dma_start3A_224 = arith.constant 0 : i32
    %dma_start3A_225 = arith.constant 0 : i32
    %dma_start3A_226 = tpu.memref_slice %arg2[%dma_start3A_224, %dma_start3A_225] : memref<10000x128xf32, #tpu.memory_space<hbm>> -> memref<10000x128xf32, #tpu.memory_space<hbm>>
    %dma_start3A_227 = tpu.memref_slice %arg13[%dma_start3A_216] : memref<4x!tpu.dma_semaphore, #tpu.memory_space<semaphore_mem>> -> memref<1x!tpu.dma_semaphore, #tpu.memory_space<semaphore_mem>>
    %dma_start3A_228 = tpu.memref_squeeze %dma_start3A_227 : memref<1x!tpu.dma_semaphore, #tpu.memory_space<semaphore_mem>> -> memref<!tpu.dma_semaphore, #tpu.memory_space<semaphore_mem>>
    tpu.enqueue_indirect_dma source(%dma_start3A_226 : memref<10000x128xf32, #tpu.memory_space<hbm>>) target(%dma_start3A_220 : memref<80x128xf32, #tpu.memory_space<vmem>>) offsets(%dma_start3A_223 : memref<80xi32, #tpu.memory_space<vmem>>) semaphore(%dma_start3A_228 : memref<!tpu.dma_semaphore, #tpu.memory_space<semaphore_mem>>)
    %scan3A_229 = arith.constant 0 : i32
    %scan3A_230 = arith.constant 0 : i32
    %scan3A_231 = arith.constant 10 : i32
    %scan3A_232 = arith.addi %scan3A_230, %scan3A_231 : i32
    %scan3A_233 = arith.constant 1 : i32
    %scan3A_234 = scf.for %scan3A_393 = %scan3A_230 to %scan3A_232 step %scan3A_233 iter_args(%scan3A_394 = %scan3A_229) -> (i32)  : i32 {
      %broadcast_in_dim3A_395 = arith.constant 0.000000e+00 : f32
      %broadcast_in_dim3A_396 = vector.broadcast %broadcast_in_dim3A_395 : f32 to vector<16xf32>
      %mul3A_397 = arith.constant 64 : i32
      %mul3A_398 = arith.muli %scan3A_393, %mul3A_397 : i32
      %add3A_399 = arith.constant 0 : i32
      %add3A_400 = arith.addi %mul3A_398, %add3A_399 : i32
      %swap3A_401 = arith.index_cast %add3A_400 : i32 to index
      %swap3A_402 = tpu.vector_load %arg8[%swap3A_401] {strides = array<i32>} : memref<640xf32, #tpu.memory_space<vmem>>, vector<16xf32>,
      %swap3A_403 = vector.shape_cast %swap3A_402 : vector<16xf32> to vector<16xf32>
      %swap3A_404 = vector.shape_cast %broadcast_in_dim3A_396 : vector<16xf32> to vector<16xf32>
      tpu.vector_store %arg8[%swap3A_401], %swap3A_404 {strides = array<i32>} : memref<640xf32, #tpu.memory_space<vmem>>, vector<16xf32>,
      %broadcast_in_dim3A_405 = arith.constant 0.000000e+00 : f32
      %broadcast_in_dim3A_406 = vector.broadcast %broadcast_in_dim3A_405 : f32 to vector<16xf32>
      %mul3A_407 = arith.constant 64 : i32
      %mul3A_408 = arith.muli %scan3A_393, %mul3A_407 : i32
      %add3A_409 = arith.constant 16 : i32
      %add3A_410 = arith.addi %mul3A_408, %add3A_409 : i32
      %swap3A_411 = arith.index_cast %add3A_410 : i32 to index
      %swap3A_412 = tpu.vector_load %arg8[%swap3A_411] {strides = array<i32>} : memref<640xf32, #tpu.memory_space<vmem>>, vector<16xf32>,
      %swap3A_413 = vector.shape_cast %swap3A_412 : vector<16xf32> to vector<16xf32>
      %swap3A_414 = vector.shape_cast %broadcast_in_dim3A_406 : vector<16xf32> to vector<16xf32>
      tpu.vector_store %arg8[%swap3A_411], %swap3A_414 {strides = array<i32>} : memref<640xf32, #tpu.memory_space<vmem>>, vector<16xf32>,
      %broadcast_in_dim3A_415 = arith.constant 0.000000e+00 : f32
      %broadcast_in_dim3A_416 = vector.broadcast %broadcast_in_dim3A_415 : f32 to vector<16xf32>
      %mul3A_417 = arith.constant 64 : i32
      %mul3A_418 = arith.muli %scan3A_393, %mul3A_417 : i32
      %add3A_419 = arith.constant 32 : i32
      %add3A_420 = arith.addi %mul3A_418, %add3A_419 : i32
      %swap3A_421 = arith.index_cast %add3A_420 : i32 to index
      %swap3A_422 = tpu.vector_load %arg8[%swap3A_421] {strides = array<i32>} : memref<640xf32, #tpu.memory_space<vmem>>, vector<16xf32>,
      %swap3A_423 = vector.shape_cast %swap3A_422 : vector<16xf32> to vector<16xf32>
      %swap3A_424 = vector.shape_cast %broadcast_in_dim3A_416 : vector<16xf32> to vector<16xf32>
      tpu.vector_store %arg8[%swap3A_421], %swap3A_424 {strides = array<i32>} : memref<640xf32, #tpu.memory_space<vmem>>, vector<16xf32>,
      %broadcast_in_dim3A_425 = arith.constant 0.000000e+00 : f32
      %broadcast_in_dim3A_426 = vector.broadcast %broadcast_in_dim3A_425 : f32 to vector<16xf32>
      %mul3A_427 = arith.constant 64 : i32
      %mul3A_428 = arith.muli %scan3A_393, %mul3A_427 : i32
      %add3A_429 = arith.constant 48 : i32
      %add3A_430 = arith.addi %mul3A_428, %add3A_429 : i32
      %swap3A_431 = arith.index_cast %add3A_430 : i32 to index
      %swap3A_432 = tpu.vector_load %arg8[%swap3A_431] {strides = array<i32>} : memref<640xf32, #tpu.memory_space<vmem>>, vector<16xf32>,
      %swap3A_433 = vector.shape_cast %swap3A_432 : vector<16xf32> to vector<16xf32>
      %swap3A_434 = vector.shape_cast %broadcast_in_dim3A_426 : vector<16xf32> to vector<16xf32>
      tpu.vector_store %arg8[%swap3A_431], %swap3A_434 {strides = array<i32>} : memref<640xf32, #tpu.memory_space<vmem>>, vector<16xf32>,
      %scan3A_435 = arith.constant 0 : i32
      scf.yield %scan3A_435 : i32
    }
    %scan3A_235 = arith.constant 10 : i32
    %broadcast_in_dim3A = arith.constant 1.000000e+00 : f32
    %broadcast_in_dim3A_236 = vector.broadcast %broadcast_in_dim3A : f32 to vector<16xf32>
    %swap3A = arith.constant 0 : index
    %swap3A_237 = tpu.vector_load %arg9[%swap3A] {strides = array<i32>} : memref<80xf32, #tpu.memory_space<vmem>>, vector<16xf32>,
    %swap3A_238 = vector.shape_cast %swap3A_237 : vector<16xf32> to vector<16xf32>
    %swap3A_239 = vector.shape_cast %broadcast_in_dim3A_236 : vector<16xf32> to vector<16xf32>
    tpu.vector_store %arg9[%swap3A], %swap3A_239 {strides = array<i32>} : memref<80xf32, #tpu.memory_space<vmem>>, vector<16xf32>,
    %broadcast_in_dim3A_240 = arith.constant 1.000000e+00 : f32
    %broadcast_in_dim3A_241 = vector.broadcast %broadcast_in_dim3A_240 : f32 to vector<16xf32>
    %swap3A_242 = arith.constant 16 : index
    %swap3A_243 = tpu.vector_load %arg9[%swap3A_242] {strides = array<i32>} : memref<80xf32, #tpu.memory_space<vmem>>, vector<16xf32>,
    %swap3A_244 = vector.shape_cast %swap3A_243 : vector<16xf32> to vector<16xf32>
    %swap3A_245 = vector.shape_cast %broadcast_in_dim3A_241 : vector<16xf32> to vector<16xf32>
    tpu.vector_store %arg9[%swap3A_242], %swap3A_245 {strides = array<i32>} : memref<80xf32, #tpu.memory_space<vmem>>, vector<16xf32>,
    %broadcast_in_dim3A_246 = arith.constant 1.000000e+00 : f32
    %broadcast_in_dim3A_247 = vector.broadcast %broadcast_in_dim3A_246 : f32 to vector<16xf32>
    %swap3A_248 = arith.constant 32 : index
    %swap3A_249 = tpu.vector_load %arg9[%swap3A_248] {strides = array<i32>} : memref<80xf32, #tpu.memory_space<vmem>>, vector<16xf32>,
    %swap3A_250 = vector.shape_cast %swap3A_249 : vector<16xf32> to vector<16xf32>
    %swap3A_251 = vector.shape_cast %broadcast_in_dim3A_247 : vector<16xf32> to vector<16xf32>
    tpu.vector_store %arg9[%swap3A_248], %swap3A_251 {strides = array<i32>} : memref<80xf32, #tpu.memory_space<vmem>>, vector<16xf32>,
    %broadcast_in_dim3A_252 = arith.constant 1.000000e+00 : f32
    %broadcast_in_dim3A_253 = vector.broadcast %broadcast_in_dim3A_252 : f32 to vector<16xf32>
    %swap3A_254 = arith.constant 48 : index
    %swap3A_255 = tpu.vector_load %arg9[%swap3A_254] {strides = array<i32>} : memref<80xf32, #tpu.memory_space<vmem>>, vector<16xf32>,
    %swap3A_256 = vector.shape_cast %swap3A_255 : vector<16xf32> to vector<16xf32>
    %swap3A_257 = vector.shape_cast %broadcast_in_dim3A_253 : vector<16xf32> to vector<16xf32>
    tpu.vector_store %arg9[%swap3A_254], %swap3A_257 {strides = array<i32>} : memref<80xf32, #tpu.memory_space<vmem>>, vector<16xf32>,
    %broadcast_in_dim3A_258 = arith.constant 1.000000e+00 : f32
    %broadcast_in_dim3A_259 = vector.broadcast %broadcast_in_dim3A_258 : f32 to vector<16xf32>
    %swap3A_260 = arith.constant 64 : index
    %swap3A_261 = tpu.vector_load %arg9[%swap3A_260] {strides = array<i32>} : memref<80xf32, #tpu.memory_space<vmem>>, vector<16xf32>,
    %swap3A_262 = vector.shape_cast %swap3A_261 : vector<16xf32> to vector<16xf32>
    %swap3A_263 = vector.shape_cast %broadcast_in_dim3A_259 : vector<16xf32> to vector<16xf32>
    tpu.vector_store %arg9[%swap3A_260], %swap3A_263 {strides = array<i32>} : memref<80xf32, #tpu.memory_space<vmem>>, vector<16xf32>,
    %scan3A_264 = arith.constant 0 : i32
    %scan3A_265 = arith.constant 0 : i32
    %scan3A_266 = arith.constant 10 : i32
    %scan3A_267 = arith.addi %scan3A_265, %scan3A_266 : i32
    %scan3A_268 = arith.constant 1 : i32
    %scan3A_269 = scf.for %scan3A_393 = %scan3A_265 to %scan3A_267 step %scan3A_268 iter_args(%scan3A_394 = %scan3A_264) -> (i32)  : i32 {
      %mul3A_395 = arith.constant 640 : i32
      %mul3A_396 = arith.muli %arg1, %mul3A_395 : i32
      %mul3A_397 = arith.constant 64 : i32
      %mul3A_398 = arith.muli %scan3A_393, %mul3A_397 : i32
      %add3A_399 = arith.addi %mul3A_396, %mul3A_398 : i32
      %run_scoped3A = arith.constant 3 : i32
      "tpu.region"() ({
        %run_scoped3A_401 = tpu.sem_alloc : memref<!tpu.dma_semaphore, #tpu.memory_space<semaphore_mem>>
        %dma_start3A_402 = arith.constant 0 : i32
        %dma_start3A_403 = arith.constant 0 : i32
        %dma_start3A_404 = tpu.memref_slice %arg7[%run_scoped3A, %dma_start3A_402, %dma_start3A_403] : memref<4x80x128xf32, #tpu.memory_space<vmem>> -> memref<1x64x128xf32, #tpu.memory_space<vmem>>
        %dma_start3A_405 = tpu.memref_squeeze %dma_start3A_404 : memref<1x64x128xf32, #tpu.memory_space<vmem>> -> memref<64x128xf32, #tpu.memory_space<vmem>>
        %dma_start3A_406 = arith.constant 0 : i32
        %dma_start3A_407 = tpu.memref_slice %arg10[%add3A_399, %dma_start3A_406] : memref<10240x128xf32, #tpu.memory_space<vmem_shared>> -> memref<64x128xf32, #tpu.memory_space<vmem_shared>>
        %dma_start3A_408 = arith.constant 0 : i32
        %dma_start3A_409 = tpu.memref_slice %arg10[%add3A_399, %dma_start3A_408] : memref<10240x128xf32, #tpu.memory_space<vmem_shared>> -> memref<64x128xf32, #tpu.memory_space<vmem_shared>>
        %dma_start3A_410 = arith.constant 0 : i32
        %dma_start3A_411 = arith.constant 0 : i32
        %dma_start3A_412 = tpu.memref_slice %arg7[%run_scoped3A, %dma_start3A_410, %dma_start3A_411] : memref<4x80x128xf32, #tpu.memory_space<vmem>> -> memref<1x64x128xf32, #tpu.memory_space<vmem>>
        %dma_start3A_413 = tpu.memref_squeeze %dma_start3A_412 : memref<1x64x128xf32, #tpu.memory_space<vmem>> -> memref<64x128xf32, #tpu.memory_space<vmem>>
        tpu.enqueue_dma source(%dma_start3A_413 : memref<64x128xf32, #tpu.memory_space<vmem>>) target(%dma_start3A_409 : memref<64x128xf32, #tpu.memory_space<vmem_shared>>) target_semaphore(%run_scoped3A_401 : memref<!tpu.dma_semaphore, #tpu.memory_space<semaphore_mem>>)
        %dma_wait3A_414 = arith.constant 0 : i32
        %dma_wait3A_415 = arith.constant 0 : i32
        %dma_wait3A_416 = tpu.memref_slice %arg7[%run_scoped3A, %dma_wait3A_414, %dma_wait3A_415] : memref<4x80x128xf32, #tpu.memory_space<vmem>> -> memref<1x64x128xf32, #tpu.memory_space<vmem>>
        %dma_wait3A_417 = tpu.memref_squeeze %dma_wait3A_416 : memref<1x64x128xf32, #tpu.memory_space<vmem>> -> memref<64x128xf32, #tpu.memory_space<vmem>>
        %dma_wait3A_418 = arith.constant 0 : i32
        %dma_wait3A_419 = tpu.memref_slice %arg10[%add3A_399, %dma_wait3A_418] : memref<10240x128xf32, #tpu.memory_space<vmem_shared>> -> memref<64x128xf32, #tpu.memory_space<vmem_shared>>
        %dma_wait3A_420 = arith.constant 0 : i32
        %dma_wait3A_421 = tpu.memref_slice %arg10[%add3A_399, %dma_wait3A_420] : memref<10240x128xf32, #tpu.memory_space<vmem_shared>> -> memref<64x128xf32, #tpu.memory_space<vmem_shared>>
        %dma_wait3A_422 = arith.constant 0 : i32
        %dma_wait3A_423 = arith.constant 0 : i32
        %dma_wait3A_424 = tpu.memref_slice %arg7[%run_scoped3A, %dma_wait3A_422, %dma_wait3A_423] : memref<4x80x128xf32, #tpu.memory_space<vmem>> -> memref<1x64x128xf32, #tpu.memory_space<vmem>>
        %dma_wait3A_425 = tpu.memref_squeeze %dma_wait3A_424 : memref<1x64x128xf32, #tpu.memory_space<vmem>> -> memref<64x128xf32, #tpu.memory_space<vmem>>
        tpu.wait_dma2 semaphore(%run_scoped3A_401 : memref<!tpu.dma_semaphore, #tpu.memory_space<semaphore_mem>>) src(%dma_wait3A_425 : memref<64x128xf32, #tpu.memory_space<vmem>>) dst(%dma_wait3A_421 : memref<64x128xf32, #tpu.memory_space<vmem_shared>>)
        tpu.yield
      }) : () -> ()
      %scan3A_400 = arith.constant 0 : i32
      scf.yield %scan3A_400 : i32
    }
    %scan3A_270 = arith.constant 10 : i32
    %mul3A_271 = arith.constant 640 : i32
    %mul3A_272 = arith.muli %arg1, %mul3A_271 : i32
    "tpu.region"() ({
      %run_scoped3A = tpu.sem_alloc : memref<!tpu.dma_semaphore, #tpu.memory_space<semaphore_mem>>
      %dma_start3A_393 = tpu.memref_slice %arg11[%mul3A_272] : memref<10240xf32, #tpu.memory_space<vmem_shared>> -> memref<640xf32, #tpu.memory_space<vmem_shared>>
      %dma_start3A_394 = tpu.memref_slice %arg11[%mul3A_272] : memref<10240xf32, #tpu.memory_space<vmem_shared>> -> memref<640xf32, #tpu.memory_space<vmem_shared>>
      tpu.enqueue_dma source(%arg8 : memref<640xf32, #tpu.memory_space<vmem>>) target(%dma_start3A_394 : memref<640xf32, #tpu.memory_space<vmem_shared>>) target_semaphore(%run_scoped3A : memref<!tpu.dma_semaphore, #tpu.memory_space<semaphore_mem>>)
      %dma_wait3A_395 = tpu.memref_slice %arg11[%mul3A_272] : memref<10240xf32, #tpu.memory_space<vmem_shared>> -> memref<640xf32, #tpu.memory_space<vmem_shared>>
      %dma_wait3A_396 = tpu.memref_slice %arg11[%mul3A_272] : memref<10240xf32, #tpu.memory_space<vmem_shared>> -> memref<640xf32, #tpu.memory_space<vmem_shared>>
      tpu.wait_dma2 semaphore(%run_scoped3A : memref<!tpu.dma_semaphore, #tpu.memory_space<semaphore_mem>>) src(%arg8 : memref<640xf32, #tpu.memory_space<vmem>>) dst(%dma_wait3A_396 : memref<640xf32, #tpu.memory_space<vmem_shared>>)
      tpu.yield
    }) : () -> ()
    %barrier3A = arith.constant 0 : index
    tpu.barrier barrier_id(%barrier3A)
    %while3A = arith.constant 0 : i32
    %while3A_273 = arith.constant 0 : i32
    %while3A_274 = arith.subi %select_n3A, %while3A : i32
    %while3A_275 = arith.addi %while3A, %while3A_274 : i32
    %while3A_276 = arith.constant 1 : i32
    %while3A_277 = arith.divsi %while3A_274, %while3A_276 : i32
    %while3A_278 = arith.muli %while3A_277, %while3A_276 : i32
    %while3A_279 = arith.addi %while3A, %while3A_278 : i32
    %while3A_280 = arith.constant 1 : i32
    %while3A_281 = scf.for %while3A_393 = %while3A to %while3A_279 step %while3A_280 iter_args(%while3A_394 = %while3A_273) -> (i32)  : i32 {
      %rem3A_395 = arith.constant 4 : i32
      %rem3A_396 = arith.remsi %while3A_393, %rem3A_395 : i32
      %dma_wait3A_397 = arith.constant 0 : i32
      %dma_wait3A_398 = arith.constant 0 : i32
      %dma_wait3A_399 = tpu.memref_slice %arg7[%rem3A_396, %dma_wait3A_397, %dma_wait3A_398] : memref<4x80x128xf32, #tpu.memory_space<vmem>> -> memref<1x80x128xf32, #tpu.memory_space<vmem>>
      %dma_wait3A_400 = tpu.memref_squeeze %dma_wait3A_399 : memref<1x80x128xf32, #tpu.memory_space<vmem>> -> memref<80x128xf32, #tpu.memory_space<vmem>>
      %dma_wait3A_401 = arith.constant 0 : i32
      %dma_wait3A_402 = arith.constant 0 : i32
      %dma_wait3A_403 = tpu.memref_slice %arg2[%dma_wait3A_401, %dma_wait3A_402] : memref<10000x128xf32, #tpu.memory_space<hbm>> -> memref<80x128xf32, #tpu.memory_space<hbm>>
      %dma_wait3A_404 = tpu.memref_slice %arg13[%rem3A_396] : memref<4x!tpu.dma_semaphore, #tpu.memory_space<semaphore_mem>> -> memref<1x!tpu.dma_semaphore, #tpu.memory_space<semaphore_mem>>
      %dma_wait3A_405 = tpu.memref_squeeze %dma_wait3A_404 : memref<1x!tpu.dma_semaphore, #tpu.memory_space<semaphore_mem>> -> memref<!tpu.dma_semaphore, #tpu.memory_space<semaphore_mem>>
      %dma_wait3A_406 = arith.constant 0 : i32
      %dma_wait3A_407 = arith.constant 0 : i32
      %dma_wait3A_408 = tpu.memref_slice %arg7[%rem3A_396, %dma_wait3A_406, %dma_wait3A_407] : memref<4x80x128xf32, #tpu.memory_space<vmem>> -> memref<1x80x128xf32, #tpu.memory_space<vmem>>
      %dma_wait3A_409 = tpu.memref_squeeze %dma_wait3A_408 : memref<1x80x128xf32, #tpu.memory_space<vmem>> -> memref<80x128xf32, #tpu.memory_space<vmem>>
      %dma_wait3A_410 = arith.constant 0 : i32
      %dma_wait3A_411 = arith.constant 0 : i32
      %dma_wait3A_412 = tpu.memref_slice %arg2[%dma_wait3A_410, %dma_wait3A_411] : memref<10000x128xf32, #tpu.memory_space<hbm>> -> memref<80x128xf32, #tpu.memory_space<hbm>>
      tpu.wait_dma2 semaphore(%dma_wait3A_405 : memref<!tpu.dma_semaphore, #tpu.memory_space<semaphore_mem>>) src(%dma_wait3A_412 : memref<80x128xf32, #tpu.memory_space<hbm>>) dst(%dma_wait3A_409 : memref<80x128xf32, #tpu.memory_space<vmem>>)
      %rem3A_413 = arith.constant 8 : i32
      %rem3A_414 = arith.remsi %while3A_393, %rem3A_413 : i32
      %dma_start3A_415 = arith.constant 1 : i32
      %dma_start3A_416 = arith.constant 0 : i32
      %dma_start3A_417 = arith.constant 0 : i32
      %dma_start3A_418 = tpu.memref_slice %arg7[%rem3A_396, %dma_start3A_416, %dma_start3A_417] : memref<4x80x128xf32, #tpu.memory_space<vmem>> -> memref<1x80x128xf32, #tpu.memory_space<vmem>>
      %dma_start3A_419 = tpu.memref_squeeze %dma_start3A_418 : memref<1x80x128xf32, #tpu.memory_space<vmem>> -> memref<80x128xf32, #tpu.memory_space<vmem>>
      %dma_start3A_420 = arith.constant 0 : i32
      %dma_start3A_421 = tpu.memref_slice %arg6[%rem3A_414, %dma_start3A_415, %dma_start3A_420] : memref<8x2x80xi32, #tpu.memory_space<vmem>> -> memref<1x1x80xi32, #tpu.memory_space<vmem>>
      %dma_start3A_422 = tpu.memref_squeeze %dma_start3A_421 : memref<1x1x80xi32, #tpu.memory_space<vmem>> -> memref<80xi32, #tpu.memory_space<vmem>>
      %dma_start3A_423 = arith.constant 0 : i32
      %dma_start3A_424 = arith.constant 0 : i32
      %dma_start3A_425 = tpu.memref_slice %arg10[%dma_start3A_423, %dma_start3A_424] : memref<10240x128xf32, #tpu.memory_space<vmem_shared>> -> memref<10240x128xf32, #tpu.memory_space<vmem_shared>>
      %dma_start3A_426 = tpu.memref_slice %arg14[%rem3A_396] : memref<4x!tpu.dma_semaphore, #tpu.memory_space<semaphore_mem>> -> memref<1x!tpu.dma_semaphore, #tpu.memory_space<semaphore_mem>>
      %dma_start3A_427 = tpu.memref_squeeze %dma_start3A_426 : memref<1x!tpu.dma_semaphore, #tpu.memory_space<semaphore_mem>> -> memref<!tpu.dma_semaphore, #tpu.memory_space<semaphore_mem>>
      tpu.enqueue_indirect_dma source(%dma_start3A_419 : memref<80x128xf32, #tpu.memory_space<vmem>>) target(%dma_start3A_425 : memref<10240x128xf32, #tpu.memory_space<vmem_shared>>) offsets(%dma_start3A_422 : memref<80xi32, #tpu.memory_space<vmem>>) semaphore(%dma_start3A_427 : memref<!tpu.dma_semaphore, #tpu.memory_space<semaphore_mem>>) {add = true}
      %dma_start3A_428 = arith.constant 1 : i32
      %dma_start3A_429 = arith.constant 0 : i32
      %dma_start3A_430 = tpu.memref_slice %arg6[%rem3A_414, %dma_start3A_428, %dma_start3A_429] : memref<8x2x80xi32, #tpu.memory_space<vmem>> -> memref<1x1x80xi32, #tpu.memory_space<vmem>>
      %dma_start3A_431 = tpu.memref_squeeze %dma_start3A_430 : memref<1x1x80xi32, #tpu.memory_space<vmem>> -> memref<80xi32, #tpu.memory_space<vmem>>
      %dma_start3A_432 = arith.constant 0 : i32
      %dma_start3A_433 = tpu.memref_slice %arg11[%dma_start3A_432] : memref<10240xf32, #tpu.memory_space<vmem_shared>> -> memref<10240xf32, #tpu.memory_space<vmem_shared>>
      %dma_start3A_434 = tpu.memref_slice %arg15[%rem3A_396] : memref<4x!tpu.dma_semaphore, #tpu.memory_space<semaphore_mem>> -> memref<1x!tpu.dma_semaphore, #tpu.memory_space<semaphore_mem>>
      %dma_start3A_435 = tpu.memref_squeeze %dma_start3A_434 : memref<1x!tpu.dma_semaphore, #tpu.memory_space<semaphore_mem>> -> memref<!tpu.dma_semaphore, #tpu.memory_space<semaphore_mem>>
      tpu.enqueue_indirect_dma source(%arg9 : memref<80xf32, #tpu.memory_space<vmem>>) target(%dma_start3A_433 : memref<10240xf32, #tpu.memory_space<vmem_shared>>) offsets(%dma_start3A_431 : memref<80xi32, #tpu.memory_space<vmem>>) semaphore(%dma_start3A_435 : memref<!tpu.dma_semaphore, #tpu.memory_space<semaphore_mem>>) {add = true}
      %add3A_436 = arith.constant 3 : i32
      %add3A_437 = arith.addi %while3A_393, %add3A_436 : i32
      %lt3A = arith.cmpi slt, %add3A_437, %select_n3A : i32
      %convert_element_type3A = arith.extui %lt3A : i1 to i32
      %cond3A = arith.constant 0 : i32
      %cond3A_438 = arith.cmpi ne, %convert_element_type3A, %cond3A : i32
      scf.if %cond3A_438 {
        %add3A_440 = arith.constant 3 : i32
        %add3A_441 = arith.addi %while3A_393, %add3A_440 : i32
        %rem3A_442 = arith.constant 4 : i32
        %rem3A_443 = arith.remsi %add3A_441, %rem3A_442 : i32
        %ge3A = arith.constant 1 : i32
        %ge3A_444 = arith.cmpi sge, %while3A_393, %ge3A : i32
        %convert_element_type3A_445 = arith.extui %ge3A_444 : i1 to i32
        %cond3A_446 = arith.constant 0 : i32
        %cond3A_447 = arith.cmpi ne, %convert_element_type3A_445, %cond3A_446 : i32
        scf.if %cond3A_447 {
          %dma_wait3A_489 = arith.constant 0 : i32
          %dma_wait3A_490 = arith.constant 0 : i32
          %dma_wait3A_491 = tpu.memref_slice %arg7[%rem3A_443, %dma_wait3A_489, %dma_wait3A_490] : memref<4x80x128xf32, #tpu.memory_space<vmem>> -> memref<1x80x128xf32, #tpu.memory_space<vmem>>
          %dma_wait3A_492 = tpu.memref_squeeze %dma_wait3A_491 : memref<1x80x128xf32, #tpu.memory_space<vmem>> -> memref<80x128xf32, #tpu.memory_space<vmem>>
          %dma_wait3A_493 = arith.constant 0 : i32
          %dma_wait3A_494 = arith.constant 0 : i32
          %dma_wait3A_495 = tpu.memref_slice %arg10[%dma_wait3A_493, %dma_wait3A_494] : memref<10240x128xf32, #tpu.memory_space<vmem_shared>> -> memref<80x128xf32, #tpu.memory_space<vmem_shared>>
          %dma_wait3A_496 = tpu.memref_slice %arg14[%rem3A_443] : memref<4x!tpu.dma_semaphore, #tpu.memory_space<semaphore_mem>> -> memref<1x!tpu.dma_semaphore, #tpu.memory_space<semaphore_mem>>
          %dma_wait3A_497 = tpu.memref_squeeze %dma_wait3A_496 : memref<1x!tpu.dma_semaphore, #tpu.memory_space<semaphore_mem>> -> memref<!tpu.dma_semaphore, #tpu.memory_space<semaphore_mem>>
          %dma_wait3A_498 = arith.constant 0 : i32
          %dma_wait3A_499 = arith.constant 0 : i32
          %dma_wait3A_500 = tpu.memref_slice %arg10[%dma_wait3A_498, %dma_wait3A_499] : memref<10240x128xf32, #tpu.memory_space<vmem_shared>> -> memref<80x128xf32, #tpu.memory_space<vmem_shared>>
          %dma_wait3A_501 = arith.constant 0 : i32
          %dma_wait3A_502 = arith.constant 0 : i32
          %dma_wait3A_503 = tpu.memref_slice %arg7[%rem3A_443, %dma_wait3A_501, %dma_wait3A_502] : memref<4x80x128xf32, #tpu.memory_space<vmem>> -> memref<1x80x128xf32, #tpu.memory_space<vmem>>
          %dma_wait3A_504 = tpu.memref_squeeze %dma_wait3A_503 : memref<1x80x128xf32, #tpu.memory_space<vmem>> -> memref<80x128xf32, #tpu.memory_space<vmem>>
          tpu.wait_dma2 semaphore(%dma_wait3A_497 : memref<!tpu.dma_semaphore, #tpu.memory_space<semaphore_mem>>) src(%dma_wait3A_504 : memref<80x128xf32, #tpu.memory_space<vmem>>) dst(%dma_wait3A_500 : memref<80x128xf32, #tpu.memory_space<vmem_shared>>)
          %dma_wait3A_505 = arith.constant 0 : i32
          %dma_wait3A_506 = tpu.memref_slice %arg11[%dma_wait3A_505] : memref<10240xf32, #tpu.memory_space<vmem_shared>> -> memref<80xf32, #tpu.memory_space<vmem_shared>>
          %dma_wait3A_507 = tpu.memref_slice %arg15[%rem3A_443] : memref<4x!tpu.dma_semaphore, #tpu.memory_space<semaphore_mem>> -> memref<1x!tpu.dma_semaphore, #tpu.memory_space<semaphore_mem>>
          %dma_wait3A_508 = tpu.memref_squeeze %dma_wait3A_507 : memref<1x!tpu.dma_semaphore, #tpu.memory_space<semaphore_mem>> -> memref<!tpu.dma_semaphore, #tpu.memory_space<semaphore_mem>>
          %dma_wait3A_509 = arith.constant 0 : i32
          %dma_wait3A_510 = tpu.memref_slice %arg11[%dma_wait3A_509] : memref<10240xf32, #tpu.memory_space<vmem_shared>> -> memref<80xf32, #tpu.memory_space<vmem_shared>>
          tpu.wait_dma2 semaphore(%dma_wait3A_508 : memref<!tpu.dma_semaphore, #tpu.memory_space<semaphore_mem>>) src(%arg9 : memref<80xf32, #tpu.memory_space<vmem>>) dst(%dma_wait3A_510 : memref<80xf32, #tpu.memory_space<vmem_shared>>)
        } else {
        }
        %add3A_448 = arith.constant 3 : i32
        %add3A_449 = arith.addi %while3A_393, %add3A_448 : i32
        %rem3A_450 = arith.constant 8 : i32
        %rem3A_451 = arith.remsi %add3A_449, %rem3A_450 : i32
        %dma_wait3A_452 = arith.constant 0 : i32
        %dma_wait3A_453 = arith.constant 0 : i32
        %dma_wait3A_454 = tpu.memref_slice %arg6[%rem3A_451, %dma_wait3A_452, %dma_wait3A_453] : memref<8x2x80xi32, #tpu.memory_space<vmem>> -> memref<1x2x80xi32, #tpu.memory_space<vmem>>
        %dma_wait3A_455 = tpu.memref_squeeze %dma_wait3A_454 : memref<1x2x80xi32, #tpu.memory_space<vmem>> -> memref<2x80xi32, #tpu.memory_space<vmem>>
        %dma_wait3A_456 = arith.constant 0 : i32
        %dma_wait3A_457 = arith.constant 0 : i32
        %dma_wait3A_458 = tpu.memref_slice %arg3[%dma_wait3A_456, %dma_wait3A_457] : memref<2x320000xi32, #tpu.memory_space<hbm>> -> memref<2x80xi32, #tpu.memory_space<hbm>>
        %dma_wait3A_459 = tpu.memref_slice %arg12[%rem3A_451] : memref<8x!tpu.dma_semaphore, #tpu.memory_space<semaphore_mem>> -> memref<1x!tpu.dma_semaphore, #tpu.memory_space<semaphore_mem>>
        %dma_wait3A_460 = tpu.memref_squeeze %dma_wait3A_459 : memref<1x!tpu.dma_semaphore, #tpu.memory_space<semaphore_mem>> -> memref<!tpu.dma_semaphore, #tpu.memory_space<semaphore_mem>>
        %dma_wait3A_461 = arith.constant 0 : i32
        %dma_wait3A_462 = arith.constant 0 : i32
        %dma_wait3A_463 = tpu.memref_slice %arg6[%rem3A_451, %dma_wait3A_461, %dma_wait3A_462] : memref<8x2x80xi32, #tpu.memory_space<vmem>> -> memref<1x2x80xi32, #tpu.memory_space<vmem>>
        %dma_wait3A_464 = tpu.memref_squeeze %dma_wait3A_463 : memref<1x2x80xi32, #tpu.memory_space<vmem>> -> memref<2x80xi32, #tpu.memory_space<vmem>>
        %dma_wait3A_465 = arith.constant 0 : i32
        %dma_wait3A_466 = arith.constant 0 : i32
        %dma_wait3A_467 = tpu.memref_slice %arg3[%dma_wait3A_465, %dma_wait3A_466] : memref<2x320000xi32, #tpu.memory_space<hbm>> -> memref<2x80xi32, #tpu.memory_space<hbm>>
        tpu.wait_dma2 semaphore(%dma_wait3A_460 : memref<!tpu.dma_semaphore, #tpu.memory_space<semaphore_mem>>) src(%dma_wait3A_467 : memref<2x80xi32, #tpu.memory_space<hbm>>) dst(%dma_wait3A_464 : memref<2x80xi32, #tpu.memory_space<vmem>>)
        %dma_start3A_468 = arith.constant 0 : i32
        %dma_start3A_469 = arith.constant 0 : i32
        %dma_start3A_470 = arith.constant 0 : i32
        %dma_start3A_471 = tpu.memref_slice %arg7[%rem3A_443, %dma_start3A_469, %dma_start3A_470] : memref<4x80x128xf32, #tpu.memory_space<vmem>> -> memref<1x80x128xf32, #tpu.memory_space<vmem>>
        %dma_start3A_472 = tpu.memref_squeeze %dma_start3A_471 : memref<1x80x128xf32, #tpu.memory_space<vmem>> -> memref<80x128xf32, #tpu.memory_space<vmem>>
        %dma_start3A_473 = arith.constant 0 : i32
        %dma_start3A_474 = tpu.memref_slice %arg6[%rem3A_451, %dma_start3A_468, %dma_start3A_473] : memref<8x2x80xi32, #tpu.memory_space<vmem>> -> memref<1x1x80xi32, #tpu.memory_space<vmem>>
        %dma_start3A_475 = tpu.memref_squeeze %dma_start3A_474 : memref<1x1x80xi32, #tpu.memory_space<vmem>> -> memref<80xi32, #tpu.memory_space<vmem>>
        %dma_start3A_476 = arith.constant 0 : i32
        %dma_start3A_477 = arith.constant 0 : i32
        %dma_start3A_478 = tpu.memref_slice %arg2[%dma_start3A_476, %dma_start3A_477] : memref<10000x128xf32, #tpu.memory_space<hbm>> -> memref<10000x128xf32, #tpu.memory_space<hbm>>
        %dma_start3A_479 = tpu.memref_slice %arg13[%rem3A_443] : memref<4x!tpu.dma_semaphore, #tpu.memory_space<semaphore_mem>> -> memref<1x!tpu.dma_semaphore, #tpu.memory_space<semaphore_mem>>
        %dma_start3A_480 = tpu.memref_squeeze %dma_start3A_479 : memref<1x!tpu.dma_semaphore, #tpu.memory_space<semaphore_mem>> -> memref<!tpu.dma_semaphore, #tpu.memory_space<semaphore_mem>>
        tpu.enqueue_indirect_dma source(%dma_start3A_478 : memref<10000x128xf32, #tpu.memory_space<hbm>>) target(%dma_start3A_472 : memref<80x128xf32, #tpu.memory_space<vmem>>) offsets(%dma_start3A_475 : memref<80xi32, #tpu.memory_space<vmem>>) semaphore(%dma_start3A_480 : memref<!tpu.dma_semaphore, #tpu.memory_space<semaphore_mem>>)
        %add3A_481 = arith.constant 3 : i32
        %add3A_482 = arith.addi %while3A_393, %add3A_481 : i32
        %add3A_483 = arith.constant 2 : i32
        %add3A_484 = arith.addi %add3A_482, %add3A_483 : i32
        %lt3A_485 = arith.cmpi slt, %add3A_484, %select_n3A : i32
        %convert_element_type3A_486 = arith.extui %lt3A_485 : i1 to i32
        %cond3A_487 = arith.constant 0 : i32
        %cond3A_488 = arith.cmpi ne, %convert_element_type3A_486, %cond3A_487 : i32
        scf.if %cond3A_488 {
          %add3A_489 = arith.constant 3 : i32
          %add3A_490 = arith.addi %while3A_393, %add3A_489 : i32
          %add3A_491 = arith.constant 2 : i32
          %add3A_492 = arith.addi %add3A_490, %add3A_491 : i32
          %add3A_493 = arith.constant 3 : i32
          %add3A_494 = arith.addi %while3A_393, %add3A_493 : i32
          %add3A_495 = arith.constant 2 : i32
          %add3A_496 = arith.addi %add3A_494, %add3A_495 : i32
          %rem3A_497 = arith.constant 8 : i32
          %rem3A_498 = arith.remsi %add3A_496, %rem3A_497 : i32
          %mul3A_499 = arith.constant 32 : i32
          %mul3A_500 = arith.muli %add3A_492, %mul3A_499 : i32
          %add3A_501 = arith.addi %add3A, %mul3A_500 : i32
          %mul3A_502 = arith.constant 80 : i32
          %mul3A_503 = arith.muli %add3A_501, %mul3A_502 : i32
          %dma_start3A_504 = arith.constant 0 : i32
          %dma_start3A_505 = arith.constant 0 : i32
          %dma_start3A_506 = tpu.memref_slice %arg6[%rem3A_498, %dma_start3A_504, %dma_start3A_505] : memref<8x2x80xi32, #tpu.memory_space<vmem>> -> memref<1x2x80xi32, #tpu.memory_space<vmem>>
          %dma_start3A_507 = tpu.memref_squeeze %dma_start3A_506 : memref<1x2x80xi32, #tpu.memory_space<vmem>> -> memref<2x80xi32, #tpu.memory_space<vmem>>
          %dma_start3A_508 = arith.constant 0 : i32
          %dma_start3A_509 = tpu.memref_slice %arg3[%dma_start3A_508, %mul3A_503] : memref<2x320000xi32, #tpu.memory_space<hbm>> -> memref<2x80xi32, #tpu.memory_space<hbm>>
          %dma_start3A_510 = tpu.memref_slice %arg12[%rem3A_498] : memref<8x!tpu.dma_semaphore, #tpu.memory_space<semaphore_mem>> -> memref<1x!tpu.dma_semaphore, #tpu.memory_space<semaphore_mem>>
          %dma_start3A_511 = tpu.memref_squeeze %dma_start3A_510 : memref<1x!tpu.dma_semaphore, #tpu.memory_space<semaphore_mem>> -> memref<!tpu.dma_semaphore, #tpu.memory_space<semaphore_mem>>
          %dma_start3A_512 = arith.constant 0 : i32
          %dma_start3A_513 = arith.constant 0 : i32
          %dma_start3A_514 = tpu.memref_slice %arg6[%rem3A_498, %dma_start3A_512, %dma_start3A_513] : memref<8x2x80xi32, #tpu.memory_space<vmem>> -> memref<1x2x80xi32, #tpu.memory_space<vmem>>
          %dma_start3A_515 = tpu.memref_squeeze %dma_start3A_514 : memref<1x2x80xi32, #tpu.memory_space<vmem>> -> memref<2x80xi32, #tpu.memory_space<vmem>>
          %dma_start3A_516 = arith.constant 0 : i32
          %dma_start3A_517 = tpu.memref_slice %arg3[%dma_start3A_516, %mul3A_503] : memref<2x320000xi32, #tpu.memory_space<hbm>> -> memref<2x80xi32, #tpu.memory_space<hbm>>
          tpu.enqueue_dma source(%dma_start3A_517 : memref<2x80xi32, #tpu.memory_space<hbm>>) target(%dma_start3A_515 : memref<2x80xi32, #tpu.memory_space<vmem>>) target_semaphore(%dma_start3A_511 : memref<!tpu.dma_semaphore, #tpu.memory_space<semaphore_mem>>)
        } else {
        }
      } else {
      }
      %while3A_439 = arith.constant 0 : i32
      scf.yield %while3A_439 : i32
    }
    %while3A_282 = arith.constant 1 : i32
    %while3A_283 = scf.for %while3A_393 = %while3A_279 to %while3A_275 step %while3A_282 iter_args(%while3A_394 = %while3A_281) -> (i32)  : i32 {
      %rem3A_395 = arith.constant 4 : i32
      %rem3A_396 = arith.remsi %while3A_393, %rem3A_395 : i32
      %dma_wait3A_397 = arith.constant 0 : i32
      %dma_wait3A_398 = arith.constant 0 : i32
      %dma_wait3A_399 = tpu.memref_slice %arg7[%rem3A_396, %dma_wait3A_397, %dma_wait3A_398] : memref<4x80x128xf32, #tpu.memory_space<vmem>> -> memref<1x80x128xf32, #tpu.memory_space<vmem>>
      %dma_wait3A_400 = tpu.memref_squeeze %dma_wait3A_399 : memref<1x80x128xf32, #tpu.memory_space<vmem>> -> memref<80x128xf32, #tpu.memory_space<vmem>>
      %dma_wait3A_401 = arith.constant 0 : i32
      %dma_wait3A_402 = arith.constant 0 : i32
      %dma_wait3A_403 = tpu.memref_slice %arg2[%dma_wait3A_401, %dma_wait3A_402] : memref<10000x128xf32, #tpu.memory_space<hbm>> -> memref<80x128xf32, #tpu.memory_space<hbm>>
      %dma_wait3A_404 = tpu.memref_slice %arg13[%rem3A_396] : memref<4x!tpu.dma_semaphore, #tpu.memory_space<semaphore_mem>> -> memref<1x!tpu.dma_semaphore, #tpu.memory_space<semaphore_mem>>
      %dma_wait3A_405 = tpu.memref_squeeze %dma_wait3A_404 : memref<1x!tpu.dma_semaphore, #tpu.memory_space<semaphore_mem>> -> memref<!tpu.dma_semaphore, #tpu.memory_space<semaphore_mem>>
      %dma_wait3A_406 = arith.constant 0 : i32
      %dma_wait3A_407 = arith.constant 0 : i32
      %dma_wait3A_408 = tpu.memref_slice %arg7[%rem3A_396, %dma_wait3A_406, %dma_wait3A_407] : memref<4x80x128xf32, #tpu.memory_space<vmem>> -> memref<1x80x128xf32, #tpu.memory_space<vmem>>
      %dma_wait3A_409 = tpu.memref_squeeze %dma_wait3A_408 : memref<1x80x128xf32, #tpu.memory_space<vmem>> -> memref<80x128xf32, #tpu.memory_space<vmem>>
      %dma_wait3A_410 = arith.constant 0 : i32
      %dma_wait3A_411 = arith.constant 0 : i32
      %dma_wait3A_412 = tpu.memref_slice %arg2[%dma_wait3A_410, %dma_wait3A_411] : memref<10000x128xf32, #tpu.memory_space<hbm>> -> memref<80x128xf32, #tpu.memory_space<hbm>>
      tpu.wait_dma2 semaphore(%dma_wait3A_405 : memref<!tpu.dma_semaphore, #tpu.memory_space<semaphore_mem>>) src(%dma_wait3A_412 : memref<80x128xf32, #tpu.memory_space<hbm>>) dst(%dma_wait3A_409 : memref<80x128xf32, #tpu.memory_space<vmem>>)
      %rem3A_413 = arith.constant 8 : i32
      %rem3A_414 = arith.remsi %while3A_393, %rem3A_413 : i32
      %dma_start3A_415 = arith.constant 1 : i32
      %dma_start3A_416 = arith.constant 0 : i32
      %dma_start3A_417 = arith.constant 0 : i32
      %dma_start3A_418 = tpu.memref_slice %arg7[%rem3A_396, %dma_start3A_416, %dma_start3A_417] : memref<4x80x128xf32, #tpu.memory_space<vmem>> -> memref<1x80x128xf32, #tpu.memory_space<vmem>>
      %dma_start3A_419 = tpu.memref_squeeze %dma_start3A_418 : memref<1x80x128xf32, #tpu.memory_space<vmem>> -> memref<80x128xf32, #tpu.memory_space<vmem>>
      %dma_start3A_420 = arith.constant 0 : i32
      %dma_start3A_421 = tpu.memref_slice %arg6[%rem3A_414, %dma_start3A_415, %dma_start3A_420] : memref<8x2x80xi32, #tpu.memory_space<vmem>> -> memref<1x1x80xi32, #tpu.memory_space<vmem>>
      %dma_start3A_422 = tpu.memref_squeeze %dma_start3A_421 : memref<1x1x80xi32, #tpu.memory_space<vmem>> -> memref<80xi32, #tpu.memory_space<vmem>>
      %dma_start3A_423 = arith.constant 0 : i32
      %dma_start3A_424 = arith.constant 0 : i32
      %dma_start3A_425 = tpu.memref_slice %arg10[%dma_start3A_423, %dma_start3A_424] : memref<10240x128xf32, #tpu.memory_space<vmem_shared>> -> memref<10240x128xf32, #tpu.memory_space<vmem_shared>>
      %dma_start3A_426 = tpu.memref_slice %arg14[%rem3A_396] : memref<4x!tpu.dma_semaphore, #tpu.memory_space<semaphore_mem>> -> memref<1x!tpu.dma_semaphore, #tpu.memory_space<semaphore_mem>>
      %dma_start3A_427 = tpu.memref_squeeze %dma_start3A_426 : memref<1x!tpu.dma_semaphore, #tpu.memory_space<semaphore_mem>> -> memref<!tpu.dma_semaphore, #tpu.memory_space<semaphore_mem>>
      tpu.enqueue_indirect_dma source(%dma_start3A_419 : memref<80x128xf32, #tpu.memory_space<vmem>>) target(%dma_start3A_425 : memref<10240x128xf32, #tpu.memory_space<vmem_shared>>) offsets(%dma_start3A_422 : memref<80xi32, #tpu.memory_space<vmem>>) semaphore(%dma_start3A_427 : memref<!tpu.dma_semaphore, #tpu.memory_space<semaphore_mem>>) {add = true}
      %dma_start3A_428 = arith.constant 1 : i32
      %dma_start3A_429 = arith.constant 0 : i32
      %dma_start3A_430 = tpu.memref_slice %arg6[%rem3A_414, %dma_start3A_428, %dma_start3A_429] : memref<8x2x80xi32, #tpu.memory_space<vmem>> -> memref<1x1x80xi32, #tpu.memory_space<vmem>>
      %dma_start3A_431 = tpu.memref_squeeze %dma_start3A_430 : memref<1x1x80xi32, #tpu.memory_space<vmem>> -> memref<80xi32, #tpu.memory_space<vmem>>
      %dma_start3A_432 = arith.constant 0 : i32
      %dma_start3A_433 = tpu.memref_slice %arg11[%dma_start3A_432] : memref<10240xf32, #tpu.memory_space<vmem_shared>> -> memref<10240xf32, #tpu.memory_space<vmem_shared>>
      %dma_start3A_434 = tpu.memref_slice %arg15[%rem3A_396] : memref<4x!tpu.dma_semaphore, #tpu.memory_space<semaphore_mem>> -> memref<1x!tpu.dma_semaphore, #tpu.memory_space<semaphore_mem>>
      %dma_start3A_435 = tpu.memref_squeeze %dma_start3A_434 : memref<1x!tpu.dma_semaphore, #tpu.memory_space<semaphore_mem>> -> memref<!tpu.dma_semaphore, #tpu.memory_space<semaphore_mem>>
      tpu.enqueue_indirect_dma source(%arg9 : memref<80xf32, #tpu.memory_space<vmem>>) target(%dma_start3A_433 : memref<10240xf32, #tpu.memory_space<vmem_shared>>) offsets(%dma_start3A_431 : memref<80xi32, #tpu.memory_space<vmem>>) semaphore(%dma_start3A_435 : memref<!tpu.dma_semaphore, #tpu.memory_space<semaphore_mem>>) {add = true}
      %add3A_436 = arith.constant 3 : i32
      %add3A_437 = arith.addi %while3A_393, %add3A_436 : i32
      %lt3A = arith.cmpi slt, %add3A_437, %select_n3A : i32
      %convert_element_type3A = arith.extui %lt3A : i1 to i32
      %cond3A = arith.constant 0 : i32
      %cond3A_438 = arith.cmpi ne, %convert_element_type3A, %cond3A : i32
      scf.if %cond3A_438 {
        %add3A_440 = arith.constant 3 : i32
        %add3A_441 = arith.addi %while3A_393, %add3A_440 : i32
        %rem3A_442 = arith.constant 4 : i32
        %rem3A_443 = arith.remsi %add3A_441, %rem3A_442 : i32
        %ge3A = arith.constant 1 : i32
        %ge3A_444 = arith.cmpi sge, %while3A_393, %ge3A : i32
        %convert_element_type3A_445 = arith.extui %ge3A_444 : i1 to i32
        %cond3A_446 = arith.constant 0 : i32
        %cond3A_447 = arith.cmpi ne, %convert_element_type3A_445, %cond3A_446 : i32
        scf.if %cond3A_447 {
          %dma_wait3A_489 = arith.constant 0 : i32
          %dma_wait3A_490 = arith.constant 0 : i32
          %dma_wait3A_491 = tpu.memref_slice %arg7[%rem3A_443, %dma_wait3A_489, %dma_wait3A_490] : memref<4x80x128xf32, #tpu.memory_space<vmem>> -> memref<1x80x128xf32, #tpu.memory_space<vmem>>
          %dma_wait3A_492 = tpu.memref_squeeze %dma_wait3A_491 : memref<1x80x128xf32, #tpu.memory_space<vmem>> -> memref<80x128xf32, #tpu.memory_space<vmem>>
          %dma_wait3A_493 = arith.constant 0 : i32
          %dma_wait3A_494 = arith.constant 0 : i32
          %dma_wait3A_495 = tpu.memref_slice %arg10[%dma_wait3A_493, %dma_wait3A_494] : memref<10240x128xf32, #tpu.memory_space<vmem_shared>> -> memref<80x128xf32, #tpu.memory_space<vmem_shared>>
          %dma_wait3A_496 = tpu.memref_slice %arg14[%rem3A_443] : memref<4x!tpu.dma_semaphore, #tpu.memory_space<semaphore_mem>> -> memref<1x!tpu.dma_semaphore, #tpu.memory_space<semaphore_mem>>
          %dma_wait3A_497 = tpu.memref_squeeze %dma_wait3A_496 : memref<1x!tpu.dma_semaphore, #tpu.memory_space<semaphore_mem>> -> memref<!tpu.dma_semaphore, #tpu.memory_space<semaphore_mem>>
          %dma_wait3A_498 = arith.constant 0 : i32
          %dma_wait3A_499 = arith.constant 0 : i32
          %dma_wait3A_500 = tpu.memref_slice %arg10[%dma_wait3A_498, %dma_wait3A_499] : memref<10240x128xf32, #tpu.memory_space<vmem_shared>> -> memref<80x128xf32, #tpu.memory_space<vmem_shared>>
          %dma_wait3A_501 = arith.constant 0 : i32
          %dma_wait3A_502 = arith.constant 0 : i32
          %dma_wait3A_503 = tpu.memref_slice %arg7[%rem3A_443, %dma_wait3A_501, %dma_wait3A_502] : memref<4x80x128xf32, #tpu.memory_space<vmem>> -> memref<1x80x128xf32, #tpu.memory_space<vmem>>
          %dma_wait3A_504 = tpu.memref_squeeze %dma_wait3A_503 : memref<1x80x128xf32, #tpu.memory_space<vmem>> -> memref<80x128xf32, #tpu.memory_space<vmem>>
          tpu.wait_dma2 semaphore(%dma_wait3A_497 : memref<!tpu.dma_semaphore, #tpu.memory_space<semaphore_mem>>) src(%dma_wait3A_504 : memref<80x128xf32, #tpu.memory_space<vmem>>) dst(%dma_wait3A_500 : memref<80x128xf32, #tpu.memory_space<vmem_shared>>)
          %dma_wait3A_505 = arith.constant 0 : i32
          %dma_wait3A_506 = tpu.memref_slice %arg11[%dma_wait3A_505] : memref<10240xf32, #tpu.memory_space<vmem_shared>> -> memref<80xf32, #tpu.memory_space<vmem_shared>>
          %dma_wait3A_507 = tpu.memref_slice %arg15[%rem3A_443] : memref<4x!tpu.dma_semaphore, #tpu.memory_space<semaphore_mem>> -> memref<1x!tpu.dma_semaphore, #tpu.memory_space<semaphore_mem>>
          %dma_wait3A_508 = tpu.memref_squeeze %dma_wait3A_507 : memref<1x!tpu.dma_semaphore, #tpu.memory_space<semaphore_mem>> -> memref<!tpu.dma_semaphore, #tpu.memory_space<semaphore_mem>>
          %dma_wait3A_509 = arith.constant 0 : i32
          %dma_wait3A_510 = tpu.memref_slice %arg11[%dma_wait3A_509] : memref<10240xf32, #tpu.memory_space<vmem_shared>> -> memref<80xf32, #tpu.memory_space<vmem_shared>>
          tpu.wait_dma2 semaphore(%dma_wait3A_508 : memref<!tpu.dma_semaphore, #tpu.memory_space<semaphore_mem>>) src(%arg9 : memref<80xf32, #tpu.memory_space<vmem>>) dst(%dma_wait3A_510 : memref<80xf32, #tpu.memory_space<vmem_shared>>)
        } else {
        }
        %add3A_448 = arith.constant 3 : i32
        %add3A_449 = arith.addi %while3A_393, %add3A_448 : i32
        %rem3A_450 = arith.constant 8 : i32
        %rem3A_451 = arith.remsi %add3A_449, %rem3A_450 : i32
        %dma_wait3A_452 = arith.constant 0 : i32
        %dma_wait3A_453 = arith.constant 0 : i32
        %dma_wait3A_454 = tpu.memref_slice %arg6[%rem3A_451, %dma_wait3A_452, %dma_wait3A_453] : memref<8x2x80xi32, #tpu.memory_space<vmem>> -> memref<1x2x80xi32, #tpu.memory_space<vmem>>
        %dma_wait3A_455 = tpu.memref_squeeze %dma_wait3A_454 : memref<1x2x80xi32, #tpu.memory_space<vmem>> -> memref<2x80xi32, #tpu.memory_space<vmem>>
        %dma_wait3A_456 = arith.constant 0 : i32
        %dma_wait3A_457 = arith.constant 0 : i32
        %dma_wait3A_458 = tpu.memref_slice %arg3[%dma_wait3A_456, %dma_wait3A_457] : memref<2x320000xi32, #tpu.memory_space<hbm>> -> memref<2x80xi32, #tpu.memory_space<hbm>>
        %dma_wait3A_459 = tpu.memref_slice %arg12[%rem3A_451] : memref<8x!tpu.dma_semaphore, #tpu.memory_space<semaphore_mem>> -> memref<1x!tpu.dma_semaphore, #tpu.memory_space<semaphore_mem>>
        %dma_wait3A_460 = tpu.memref_squeeze %dma_wait3A_459 : memref<1x!tpu.dma_semaphore, #tpu.memory_space<semaphore_mem>> -> memref<!tpu.dma_semaphore, #tpu.memory_space<semaphore_mem>>
        %dma_wait3A_461 = arith.constant 0 : i32
        %dma_wait3A_462 = arith.constant 0 : i32
        %dma_wait3A_463 = tpu.memref_slice %arg6[%rem3A_451, %dma_wait3A_461, %dma_wait3A_462] : memref<8x2x80xi32, #tpu.memory_space<vmem>> -> memref<1x2x80xi32, #tpu.memory_space<vmem>>
        %dma_wait3A_464 = tpu.memref_squeeze %dma_wait3A_463 : memref<1x2x80xi32, #tpu.memory_space<vmem>> -> memref<2x80xi32, #tpu.memory_space<vmem>>
        %dma_wait3A_465 = arith.constant 0 : i32
        %dma_wait3A_466 = arith.constant 0 : i32
        %dma_wait3A_467 = tpu.memref_slice %arg3[%dma_wait3A_465, %dma_wait3A_466] : memref<2x320000xi32, #tpu.memory_space<hbm>> -> memref<2x80xi32, #tpu.memory_space<hbm>>
        tpu.wait_dma2 semaphore(%dma_wait3A_460 : memref<!tpu.dma_semaphore, #tpu.memory_space<semaphore_mem>>) src(%dma_wait3A_467 : memref<2x80xi32, #tpu.memory_space<hbm>>) dst(%dma_wait3A_464 : memref<2x80xi32, #tpu.memory_space<vmem>>)
        %dma_start3A_468 = arith.constant 0 : i32
        %dma_start3A_469 = arith.constant 0 : i32
        %dma_start3A_470 = arith.constant 0 : i32
        %dma_start3A_471 = tpu.memref_slice %arg7[%rem3A_443, %dma_start3A_469, %dma_start3A_470] : memref<4x80x128xf32, #tpu.memory_space<vmem>> -> memref<1x80x128xf32, #tpu.memory_space<vmem>>
        %dma_start3A_472 = tpu.memref_squeeze %dma_start3A_471 : memref<1x80x128xf32, #tpu.memory_space<vmem>> -> memref<80x128xf32, #tpu.memory_space<vmem>>
        %dma_start3A_473 = arith.constant 0 : i32
        %dma_start3A_474 = tpu.memref_slice %arg6[%rem3A_451, %dma_start3A_468, %dma_start3A_473] : memref<8x2x80xi32, #tpu.memory_space<vmem>> -> memref<1x1x80xi32, #tpu.memory_space<vmem>>
        %dma_start3A_475 = tpu.memref_squeeze %dma_start3A_474 : memref<1x1x80xi32, #tpu.memory_space<vmem>> -> memref<80xi32, #tpu.memory_space<vmem>>
        %dma_start3A_476 = arith.constant 0 : i32
        %dma_start3A_477 = arith.constant 0 : i32
        %dma_start3A_478 = tpu.memref_slice %arg2[%dma_start3A_476, %dma_start3A_477] : memref<10000x128xf32, #tpu.memory_space<hbm>> -> memref<10000x128xf32, #tpu.memory_space<hbm>>
        %dma_start3A_479 = tpu.memref_slice %arg13[%rem3A_443] : memref<4x!tpu.dma_semaphore, #tpu.memory_space<semaphore_mem>> -> memref<1x!tpu.dma_semaphore, #tpu.memory_space<semaphore_mem>>
        %dma_start3A_480 = tpu.memref_squeeze %dma_start3A_479 : memref<1x!tpu.dma_semaphore, #tpu.memory_space<semaphore_mem>> -> memref<!tpu.dma_semaphore, #tpu.memory_space<semaphore_mem>>
        tpu.enqueue_indirect_dma source(%dma_start3A_478 : memref<10000x128xf32, #tpu.memory_space<hbm>>) target(%dma_start3A_472 : memref<80x128xf32, #tpu.memory_space<vmem>>) offsets(%dma_start3A_475 : memref<80xi32, #tpu.memory_space<vmem>>) semaphore(%dma_start3A_480 : memref<!tpu.dma_semaphore, #tpu.memory_space<semaphore_mem>>)
        %add3A_481 = arith.constant 3 : i32
        %add3A_482 = arith.addi %while3A_393, %add3A_481 : i32
        %add3A_483 = arith.constant 2 : i32
        %add3A_484 = arith.addi %add3A_482, %add3A_483 : i32
        %lt3A_485 = arith.cmpi slt, %add3A_484, %select_n3A : i32
        %convert_element_type3A_486 = arith.extui %lt3A_485 : i1 to i32
        %cond3A_487 = arith.constant 0 : i32
        %cond3A_488 = arith.cmpi ne, %convert_element_type3A_486, %cond3A_487 : i32
        scf.if %cond3A_488 {
          %add3A_489 = arith.constant 3 : i32
          %add3A_490 = arith.addi %while3A_393, %add3A_489 : i32
          %add3A_491 = arith.constant 2 : i32
          %add3A_492 = arith.addi %add3A_490, %add3A_491 : i32
          %add3A_493 = arith.constant 3 : i32
          %add3A_494 = arith.addi %while3A_393, %add3A_493 : i32
          %add3A_495 = arith.constant 2 : i32
          %add3A_496 = arith.addi %add3A_494, %add3A_495 : i32
          %rem3A_497 = arith.constant 8 : i32
          %rem3A_498 = arith.remsi %add3A_496, %rem3A_497 : i32
          %mul3A_499 = arith.constant 32 : i32
          %mul3A_500 = arith.muli %add3A_492, %mul3A_499 : i32
          %add3A_501 = arith.addi %add3A, %mul3A_500 : i32
          %mul3A_502 = arith.constant 80 : i32
          %mul3A_503 = arith.muli %add3A_501, %mul3A_502 : i32
          %dma_start3A_504 = arith.constant 0 : i32
          %dma_start3A_505 = arith.constant 0 : i32
          %dma_start3A_506 = tpu.memref_slice %arg6[%rem3A_498, %dma_start3A_504, %dma_start3A_505] : memref<8x2x80xi32, #tpu.memory_space<vmem>> -> memref<1x2x80xi32, #tpu.memory_space<vmem>>
          %dma_start3A_507 = tpu.memref_squeeze %dma_start3A_506 : memref<1x2x80xi32, #tpu.memory_space<vmem>> -> memref<2x80xi32, #tpu.memory_space<vmem>>
          %dma_start3A_508 = arith.constant 0 : i32
          %dma_start3A_509 = tpu.memref_slice %arg3[%dma_start3A_508, %mul3A_503] : memref<2x320000xi32, #tpu.memory_space<hbm>> -> memref<2x80xi32, #tpu.memory_space<hbm>>
          %dma_start3A_510 = tpu.memref_slice %arg12[%rem3A_498] : memref<8x!tpu.dma_semaphore, #tpu.memory_space<semaphore_mem>> -> memref<1x!tpu.dma_semaphore, #tpu.memory_space<semaphore_mem>>
          %dma_start3A_511 = tpu.memref_squeeze %dma_start3A_510 : memref<1x!tpu.dma_semaphore, #tpu.memory_space<semaphore_mem>> -> memref<!tpu.dma_semaphore, #tpu.memory_space<semaphore_mem>>
          %dma_start3A_512 = arith.constant 0 : i32
          %dma_start3A_513 = arith.constant 0 : i32
          %dma_start3A_514 = tpu.memref_slice %arg6[%rem3A_498, %dma_start3A_512, %dma_start3A_513] : memref<8x2x80xi32, #tpu.memory_space<vmem>> -> memref<1x2x80xi32, #tpu.memory_space<vmem>>
          %dma_start3A_515 = tpu.memref_squeeze %dma_start3A_514 : memref<1x2x80xi32, #tpu.memory_space<vmem>> -> memref<2x80xi32, #tpu.memory_space<vmem>>
          %dma_start3A_516 = arith.constant 0 : i32
          %dma_start3A_517 = tpu.memref_slice %arg3[%dma_start3A_516, %mul3A_503] : memref<2x320000xi32, #tpu.memory_space<hbm>> -> memref<2x80xi32, #tpu.memory_space<hbm>>
          tpu.enqueue_dma source(%dma_start3A_517 : memref<2x80xi32, #tpu.memory_space<hbm>>) target(%dma_start3A_515 : memref<2x80xi32, #tpu.memory_space<vmem>>) target_semaphore(%dma_start3A_511 : memref<!tpu.dma_semaphore, #tpu.memory_space<semaphore_mem>>)
        } else {
        }
      } else {
      }
      %while3A_439 = arith.constant 0 : i32
      scf.yield %while3A_439 : i32
    }
    %dma_wait3A_284 = arith.constant 0 : i32
    %dma_wait3A_285 = arith.constant 0 : i32
    %dma_wait3A_286 = arith.constant 0 : i32
    %dma_wait3A_287 = arith.constant 0 : i32
    %dma_wait3A_288 = tpu.memref_slice %arg7[%dma_wait3A_284, %dma_wait3A_286, %dma_wait3A_287] : memref<4x80x128xf32, #tpu.memory_space<vmem>> -> memref<1x80x128xf32, #tpu.memory_space<vmem>>
    %dma_wait3A_289 = tpu.memref_squeeze %dma_wait3A_288 : memref<1x80x128xf32, #tpu.memory_space<vmem>> -> memref<80x128xf32, #tpu.memory_space<vmem>>
    %dma_wait3A_290 = arith.constant 0 : i32
    %dma_wait3A_291 = arith.constant 0 : i32
    %dma_wait3A_292 = tpu.memref_slice %arg10[%dma_wait3A_290, %dma_wait3A_291] : memref<10240x128xf32, #tpu.memory_space<vmem_shared>> -> memref<80x128xf32, #tpu.memory_space<vmem_shared>>
    %dma_wait3A_293 = tpu.memref_slice %arg14[%dma_wait3A_285] : memref<4x!tpu.dma_semaphore, #tpu.memory_space<semaphore_mem>> -> memref<1x!tpu.dma_semaphore, #tpu.memory_space<semaphore_mem>>
    %dma_wait3A_294 = tpu.memref_squeeze %dma_wait3A_293 : memref<1x!tpu.dma_semaphore, #tpu.memory_space<semaphore_mem>> -> memref<!tpu.dma_semaphore, #tpu.memory_space<semaphore_mem>>
    %dma_wait3A_295 = arith.constant 0 : i32
    %dma_wait3A_296 = arith.constant 0 : i32
    %dma_wait3A_297 = tpu.memref_slice %arg10[%dma_wait3A_295, %dma_wait3A_296] : memref<10240x128xf32, #tpu.memory_space<vmem_shared>> -> memref<80x128xf32, #tpu.memory_space<vmem_shared>>
    %dma_wait3A_298 = arith.constant 0 : i32
    %dma_wait3A_299 = arith.constant 0 : i32
    %dma_wait3A_300 = tpu.memref_slice %arg7[%dma_wait3A_284, %dma_wait3A_298, %dma_wait3A_299] : memref<4x80x128xf32, #tpu.memory_space<vmem>> -> memref<1x80x128xf32, #tpu.memory_space<vmem>>
    %dma_wait3A_301 = tpu.memref_squeeze %dma_wait3A_300 : memref<1x80x128xf32, #tpu.memory_space<vmem>> -> memref<80x128xf32, #tpu.memory_space<vmem>>
    tpu.wait_dma2 semaphore(%dma_wait3A_294 : memref<!tpu.dma_semaphore, #tpu.memory_space<semaphore_mem>>) src(%dma_wait3A_301 : memref<80x128xf32, #tpu.memory_space<vmem>>) dst(%dma_wait3A_297 : memref<80x128xf32, #tpu.memory_space<vmem_shared>>)
    %dma_wait3A_302 = arith.constant 0 : i32
    %dma_wait3A_303 = arith.constant 0 : i32
    %dma_wait3A_304 = tpu.memref_slice %arg11[%dma_wait3A_303] : memref<10240xf32, #tpu.memory_space<vmem_shared>> -> memref<80xf32, #tpu.memory_space<vmem_shared>>
    %dma_wait3A_305 = tpu.memref_slice %arg15[%dma_wait3A_302] : memref<4x!tpu.dma_semaphore, #tpu.memory_space<semaphore_mem>> -> memref<1x!tpu.dma_semaphore, #tpu.memory_space<semaphore_mem>>
    %dma_wait3A_306 = tpu.memref_squeeze %dma_wait3A_305 : memref<1x!tpu.dma_semaphore, #tpu.memory_space<semaphore_mem>> -> memref<!tpu.dma_semaphore, #tpu.memory_space<semaphore_mem>>
    %dma_wait3A_307 = arith.constant 0 : i32
    %dma_wait3A_308 = tpu.memref_slice %arg11[%dma_wait3A_307] : memref<10240xf32, #tpu.memory_space<vmem_shared>> -> memref<80xf32, #tpu.memory_space<vmem_shared>>
    tpu.wait_dma2 semaphore(%dma_wait3A_306 : memref<!tpu.dma_semaphore, #tpu.memory_space<semaphore_mem>>) src(%arg9 : memref<80xf32, #tpu.memory_space<vmem>>) dst(%dma_wait3A_308 : memref<80xf32, #tpu.memory_space<vmem_shared>>)
    %dma_wait3A_309 = arith.constant 1 : i32
    %dma_wait3A_310 = arith.constant 1 : i32
    %dma_wait3A_311 = arith.constant 0 : i32
    %dma_wait3A_312 = arith.constant 0 : i32
    %dma_wait3A_313 = tpu.memref_slice %arg7[%dma_wait3A_309, %dma_wait3A_311, %dma_wait3A_312] : memref<4x80x128xf32, #tpu.memory_space<vmem>> -> memref<1x80x128xf32, #tpu.memory_space<vmem>>
    %dma_wait3A_314 = tpu.memref_squeeze %dma_wait3A_313 : memref<1x80x128xf32, #tpu.memory_space<vmem>> -> memref<80x128xf32, #tpu.memory_space<vmem>>
    %dma_wait3A_315 = arith.constant 0 : i32
    %dma_wait3A_316 = arith.constant 0 : i32
    %dma_wait3A_317 = tpu.memref_slice %arg10[%dma_wait3A_315, %dma_wait3A_316] : memref<10240x128xf32, #tpu.memory_space<vmem_shared>> -> memref<80x128xf32, #tpu.memory_space<vmem_shared>>
    %dma_wait3A_318 = tpu.memref_slice %arg14[%dma_wait3A_310] : memref<4x!tpu.dma_semaphore, #tpu.memory_space<semaphore_mem>> -> memref<1x!tpu.dma_semaphore, #tpu.memory_space<semaphore_mem>>
    %dma_wait3A_319 = tpu.memref_squeeze %dma_wait3A_318 : memref<1x!tpu.dma_semaphore, #tpu.memory_space<semaphore_mem>> -> memref<!tpu.dma_semaphore, #tpu.memory_space<semaphore_mem>>
    %dma_wait3A_320 = arith.constant 0 : i32
    %dma_wait3A_321 = arith.constant 0 : i32
    %dma_wait3A_322 = tpu.memref_slice %arg10[%dma_wait3A_320, %dma_wait3A_321] : memref<10240x128xf32, #tpu.memory_space<vmem_shared>> -> memref<80x128xf32, #tpu.memory_space<vmem_shared>>
    %dma_wait3A_323 = arith.constant 0 : i32
    %dma_wait3A_324 = arith.constant 0 : i32
    %dma_wait3A_325 = tpu.memref_slice %arg7[%dma_wait3A_309, %dma_wait3A_323, %dma_wait3A_324] : memref<4x80x128xf32, #tpu.memory_space<vmem>> -> memref<1x80x128xf32, #tpu.memory_space<vmem>>
    %dma_wait3A_326 = tpu.memref_squeeze %dma_wait3A_325 : memref<1x80x128xf32, #tpu.memory_space<vmem>> -> memref<80x128xf32, #tpu.memory_space<vmem>>
    tpu.wait_dma2 semaphore(%dma_wait3A_319 : memref<!tpu.dma_semaphore, #tpu.memory_space<semaphore_mem>>) src(%dma_wait3A_326 : memref<80x128xf32, #tpu.memory_space<vmem>>) dst(%dma_wait3A_322 : memref<80x128xf32, #tpu.memory_space<vmem_shared>>)
    %dma_wait3A_327 = arith.constant 1 : i32
    %dma_wait3A_328 = arith.constant 0 : i32
    %dma_wait3A_329 = tpu.memref_slice %arg11[%dma_wait3A_328] : memref<10240xf32, #tpu.memory_space<vmem_shared>> -> memref<80xf32, #tpu.memory_space<vmem_shared>>
    %dma_wait3A_330 = tpu.memref_slice %arg15[%dma_wait3A_327] : memref<4x!tpu.dma_semaphore, #tpu.memory_space<semaphore_mem>> -> memref<1x!tpu.dma_semaphore, #tpu.memory_space<semaphore_mem>>
    %dma_wait3A_331 = tpu.memref_squeeze %dma_wait3A_330 : memref<1x!tpu.dma_semaphore, #tpu.memory_space<semaphore_mem>> -> memref<!tpu.dma_semaphore, #tpu.memory_space<semaphore_mem>>
    %dma_wait3A_332 = arith.constant 0 : i32
    %dma_wait3A_333 = tpu.memref_slice %arg11[%dma_wait3A_332] : memref<10240xf32, #tpu.memory_space<vmem_shared>> -> memref<80xf32, #tpu.memory_space<vmem_shared>>
    tpu.wait_dma2 semaphore(%dma_wait3A_331 : memref<!tpu.dma_semaphore, #tpu.memory_space<semaphore_mem>>) src(%arg9 : memref<80xf32, #tpu.memory_space<vmem>>) dst(%dma_wait3A_333 : memref<80xf32, #tpu.memory_space<vmem_shared>>)
    %dma_wait3A_334 = arith.constant 2 : i32
    %dma_wait3A_335 = arith.constant 2 : i32
    %dma_wait3A_336 = arith.constant 0 : i32
    %dma_wait3A_337 = arith.constant 0 : i32
    %dma_wait3A_338 = tpu.memref_slice %arg7[%dma_wait3A_334, %dma_wait3A_336, %dma_wait3A_337] : memref<4x80x128xf32, #tpu.memory_space<vmem>> -> memref<1x80x128xf32, #tpu.memory_space<vmem>>
    %dma_wait3A_339 = tpu.memref_squeeze %dma_wait3A_338 : memref<1x80x128xf32, #tpu.memory_space<vmem>> -> memref<80x128xf32, #tpu.memory_space<vmem>>
    %dma_wait3A_340 = arith.constant 0 : i32
    %dma_wait3A_341 = arith.constant 0 : i32
    %dma_wait3A_342 = tpu.memref_slice %arg10[%dma_wait3A_340, %dma_wait3A_341] : memref<10240x128xf32, #tpu.memory_space<vmem_shared>> -> memref<80x128xf32, #tpu.memory_space<vmem_shared>>
    %dma_wait3A_343 = tpu.memref_slice %arg14[%dma_wait3A_335] : memref<4x!tpu.dma_semaphore, #tpu.memory_space<semaphore_mem>> -> memref<1x!tpu.dma_semaphore, #tpu.memory_space<semaphore_mem>>
    %dma_wait3A_344 = tpu.memref_squeeze %dma_wait3A_343 : memref<1x!tpu.dma_semaphore, #tpu.memory_space<semaphore_mem>> -> memref<!tpu.dma_semaphore, #tpu.memory_space<semaphore_mem>>
    %dma_wait3A_345 = arith.constant 0 : i32
    %dma_wait3A_346 = arith.constant 0 : i32
    %dma_wait3A_347 = tpu.memref_slice %arg10[%dma_wait3A_345, %dma_wait3A_346] : memref<10240x128xf32, #tpu.memory_space<vmem_shared>> -> memref<80x128xf32, #tpu.memory_space<vmem_shared>>
    %dma_wait3A_348 = arith.constant 0 : i32
    %dma_wait3A_349 = arith.constant 0 : i32
    %dma_wait3A_350 = tpu.memref_slice %arg7[%dma_wait3A_334, %dma_wait3A_348, %dma_wait3A_349] : memref<4x80x128xf32, #tpu.memory_space<vmem>> -> memref<1x80x128xf32, #tpu.memory_space<vmem>>
    %dma_wait3A_351 = tpu.memref_squeeze %dma_wait3A_350 : memref<1x80x128xf32, #tpu.memory_space<vmem>> -> memref<80x128xf32, #tpu.memory_space<vmem>>
    tpu.wait_dma2 semaphore(%dma_wait3A_344 : memref<!tpu.dma_semaphore, #tpu.memory_space<semaphore_mem>>) src(%dma_wait3A_351 : memref<80x128xf32, #tpu.memory_space<vmem>>) dst(%dma_wait3A_347 : memref<80x128xf32, #tpu.memory_space<vmem_shared>>)
    %dma_wait3A_352 = arith.constant 2 : i32
    %dma_wait3A_353 = arith.constant 0 : i32
    %dma_wait3A_354 = tpu.memref_slice %arg11[%dma_wait3A_353] : memref<10240xf32, #tpu.memory_space<vmem_shared>> -> memref<80xf32, #tpu.memory_space<vmem_shared>>
    %dma_wait3A_355 = tpu.memref_slice %arg15[%dma_wait3A_352] : memref<4x!tpu.dma_semaphore, #tpu.memory_space<semaphore_mem>> -> memref<1x!tpu.dma_semaphore, #tpu.memory_space<semaphore_mem>>
    %dma_wait3A_356 = tpu.memref_squeeze %dma_wait3A_355 : memref<1x!tpu.dma_semaphore, #tpu.memory_space<semaphore_mem>> -> memref<!tpu.dma_semaphore, #tpu.memory_space<semaphore_mem>>
    %dma_wait3A_357 = arith.constant 0 : i32
    %dma_wait3A_358 = tpu.memref_slice %arg11[%dma_wait3A_357] : memref<10240xf32, #tpu.memory_space<vmem_shared>> -> memref<80xf32, #tpu.memory_space<vmem_shared>>
    tpu.wait_dma2 semaphore(%dma_wait3A_356 : memref<!tpu.dma_semaphore, #tpu.memory_space<semaphore_mem>>) src(%arg9 : memref<80xf32, #tpu.memory_space<vmem>>) dst(%dma_wait3A_358 : memref<80xf32, #tpu.memory_space<vmem_shared>>)
    %dma_wait3A_359 = arith.constant 3 : i32
    %dma_wait3A_360 = arith.constant 3 : i32
    %dma_wait3A_361 = arith.constant 0 : i32
    %dma_wait3A_362 = arith.constant 0 : i32
    %dma_wait3A_363 = tpu.memref_slice %arg7[%dma_wait3A_359, %dma_wait3A_361, %dma_wait3A_362] : memref<4x80x128xf32, #tpu.memory_space<vmem>> -> memref<1x80x128xf32, #tpu.memory_space<vmem>>
    %dma_wait3A_364 = tpu.memref_squeeze %dma_wait3A_363 : memref<1x80x128xf32, #tpu.memory_space<vmem>> -> memref<80x128xf32, #tpu.memory_space<vmem>>
    %dma_wait3A_365 = arith.constant 0 : i32
    %dma_wait3A_366 = arith.constant 0 : i32
    %dma_wait3A_367 = tpu.memref_slice %arg10[%dma_wait3A_365, %dma_wait3A_366] : memref<10240x128xf32, #tpu.memory_space<vmem_shared>> -> memref<80x128xf32, #tpu.memory_space<vmem_shared>>
    %dma_wait3A_368 = tpu.memref_slice %arg14[%dma_wait3A_360] : memref<4x!tpu.dma_semaphore, #tpu.memory_space<semaphore_mem>> -> memref<1x!tpu.dma_semaphore, #tpu.memory_space<semaphore_mem>>
    %dma_wait3A_369 = tpu.memref_squeeze %dma_wait3A_368 : memref<1x!tpu.dma_semaphore, #tpu.memory_space<semaphore_mem>> -> memref<!tpu.dma_semaphore, #tpu.memory_space<semaphore_mem>>
    %dma_wait3A_370 = arith.constant 0 : i32
    %dma_wait3A_371 = arith.constant 0 : i32
    %dma_wait3A_372 = tpu.memref_slice %arg10[%dma_wait3A_370, %dma_wait3A_371] : memref<10240x128xf32, #tpu.memory_space<vmem_shared>> -> memref<80x128xf32, #tpu.memory_space<vmem_shared>>
    %dma_wait3A_373 = arith.constant 0 : i32
    %dma_wait3A_374 = arith.constant 0 : i32
    %dma_wait3A_375 = tpu.memref_slice %arg7[%dma_wait3A_359, %dma_wait3A_373, %dma_wait3A_374] : memref<4x80x128xf32, #tpu.memory_space<vmem>> -> memref<1x80x128xf32, #tpu.memory_space<vmem>>
    %dma_wait3A_376 = tpu.memref_squeeze %dma_wait3A_375 : memref<1x80x128xf32, #tpu.memory_space<vmem>> -> memref<80x128xf32, #tpu.memory_space<vmem>>
    tpu.wait_dma2 semaphore(%dma_wait3A_369 : memref<!tpu.dma_semaphore, #tpu.memory_space<semaphore_mem>>) src(%dma_wait3A_376 : memref<80x128xf32, #tpu.memory_space<vmem>>) dst(%dma_wait3A_372 : memref<80x128xf32, #tpu.memory_space<vmem_shared>>)
    %dma_wait3A_377 = arith.constant 3 : i32
    %dma_wait3A_378 = arith.constant 0 : i32
    %dma_wait3A_379 = tpu.memref_slice %arg11[%dma_wait3A_378] : memref<10240xf32, #tpu.memory_space<vmem_shared>> -> memref<80xf32, #tpu.memory_space<vmem_shared>>
    %dma_wait3A_380 = tpu.memref_slice %arg15[%dma_wait3A_377] : memref<4x!tpu.dma_semaphore, #tpu.memory_space<semaphore_mem>> -> memref<1x!tpu.dma_semaphore, #tpu.memory_space<semaphore_mem>>
    %dma_wait3A_381 = tpu.memref_squeeze %dma_wait3A_380 : memref<1x!tpu.dma_semaphore, #tpu.memory_space<semaphore_mem>> -> memref<!tpu.dma_semaphore, #tpu.memory_space<semaphore_mem>>
    %dma_wait3A_382 = arith.constant 0 : i32
    %dma_wait3A_383 = tpu.memref_slice %arg11[%dma_wait3A_382] : memref<10240xf32, #tpu.memory_space<vmem_shared>> -> memref<80xf32, #tpu.memory_space<vmem_shared>>
    tpu.wait_dma2 semaphore(%dma_wait3A_381 : memref<!tpu.dma_semaphore, #tpu.memory_space<semaphore_mem>>) src(%arg9 : memref<80xf32, #tpu.memory_space<vmem>>) dst(%dma_wait3A_383 : memref<80xf32, #tpu.memory_space<vmem_shared>>)
    %barrier3A_384 = arith.constant 0 : index
    tpu.barrier barrier_id(%barrier3A_384)
    %mul3A_385 = arith.constant 640 : i32
    %mul3A_386 = arith.muli %arg1, %mul3A_385 : i32
    %mul3A_387 = arith.constant 640 : i32
    %mul3A_388 = arith.muli %arg1, %mul3A_387 : i32
    "tpu.region"() ({
      %run_scoped3A = tpu.sem_alloc : memref<!tpu.dma_semaphore, #tpu.memory_space<semaphore_mem>>
      %dma_start3A_393 = arith.constant 0 : i32
      %dma_start3A_394 = tpu.memref_slice %arg4[%arg0, %mul3A_388, %dma_start3A_393] : memref<2x10240x128xf32, #tpu.memory_space<hbm>> -> memref<1x640x128xf32, #tpu.memory_space<hbm>>
      %dma_start3A_395 = tpu.memref_squeeze %dma_start3A_394 : memref<1x640x128xf32, #tpu.memory_space<hbm>> -> memref<640x128xf32, #tpu.memory_space<hbm>>
      %dma_start3A_396 = arith.constant 0 : i32
      %dma_start3A_397 = tpu.memref_slice %arg10[%mul3A_386, %dma_start3A_396] : memref<10240x128xf32, #tpu.memory_space<vmem_shared>> -> memref<640x128xf32, #tpu.memory_space<vmem_shared>>
      tpu.enqueue_dma source(%dma_start3A_397 : memref<640x128xf32, #tpu.memory_space<vmem_shared>>) target(%dma_start3A_395 : memref<640x128xf32, #tpu.memory_space<hbm>>) target_semaphore(%run_scoped3A : memref<!tpu.dma_semaphore, #tpu.memory_space<semaphore_mem>>)
      %dma_wait3A_398 = arith.constant 0 : i32
      %dma_wait3A_399 = tpu.memref_slice %arg4[%arg0, %mul3A_388, %dma_wait3A_398] : memref<2x10240x128xf32, #tpu.memory_space<hbm>> -> memref<1x640x128xf32, #tpu.memory_space<hbm>>
      %dma_wait3A_400 = tpu.memref_squeeze %dma_wait3A_399 : memref<1x640x128xf32, #tpu.memory_space<hbm>> -> memref<640x128xf32, #tpu.memory_space<hbm>>
      %dma_wait3A_401 = arith.constant 0 : i32
      %dma_wait3A_402 = tpu.memref_slice %arg10[%mul3A_386, %dma_wait3A_401] : memref<10240x128xf32, #tpu.memory_space<vmem_shared>> -> memref<640x128xf32, #tpu.memory_space<vmem_shared>>
      tpu.wait_dma2 semaphore(%run_scoped3A : memref<!tpu.dma_semaphore, #tpu.memory_space<semaphore_mem>>) src(%dma_wait3A_402 : memref<640x128xf32, #tpu.memory_space<vmem_shared>>) dst(%dma_wait3A_400 : memref<640x128xf32, #tpu.memory_space<hbm>>)
      tpu.yield
    }) : () -> ()
    %mul3A_389 = arith.constant 640 : i32
    %mul3A_390 = arith.muli %arg1, %mul3A_389 : i32
    %mul3A_391 = arith.constant 640 : i32
    %mul3A_392 = arith.muli %arg1, %mul3A_391 : i32
    "tpu.region"() ({
      %run_scoped3A = tpu.sem_alloc : memref<!tpu.dma_semaphore, #tpu.memory_space<semaphore_mem>>
      %dma_start3A_393 = tpu.memref_slice %arg5[%arg0, %mul3A_392] : memref<2x10240xf32, #tpu.memory_space<hbm>> -> memref<1x640xf32, #tpu.memory_space<hbm>>
      %dma_start3A_394 = tpu.memref_squeeze %dma_start3A_393 : memref<1x640xf32, #tpu.memory_space<hbm>> -> memref<640xf32, #tpu.memory_space<hbm>>
      %dma_start3A_395 = tpu.memref_slice %arg11[%mul3A_390] : memref<10240xf32, #tpu.memory_space<vmem_shared>> -> memref<640xf32, #tpu.memory_space<vmem_shared>>
      tpu.enqueue_dma source(%dma_start3A_395 : memref<640xf32, #tpu.memory_space<vmem_shared>>) target(%dma_start3A_394 : memref<640xf32, #tpu.memory_space<hbm>>) target_semaphore(%run_scoped3A : memref<!tpu.dma_semaphore, #tpu.memory_space<semaphore_mem>>)
      %dma_wait3A_396 = tpu.memref_slice %arg5[%arg0, %mul3A_392] : memref<2x10240xf32, #tpu.memory_space<hbm>> -> memref<1x640xf32, #tpu.memory_space<hbm>>
      %dma_wait3A_397 = tpu.memref_squeeze %dma_wait3A_396 : memref<1x640xf32, #tpu.memory_space<hbm>> -> memref<640xf32, #tpu.memory_space<hbm>>
      %dma_wait3A_398 = tpu.memref_slice %arg11[%mul3A_390] : memref<10240xf32, #tpu.memory_space<vmem_shared>> -> memref<640xf32, #tpu.memory_space<vmem_shared>>
      tpu.wait_dma2 semaphore(%run_scoped3A : memref<!tpu.dma_semaphore, #tpu.memory_space<semaphore_mem>>) src(%dma_wait3A_398 : memref<640xf32, #tpu.memory_space<vmem_shared>>) dst(%dma_wait3A_397 : memref<640xf32, #tpu.memory_space<hbm>>)
      tpu.yield
    }) : () -> ()
    return
  }
}

module attributes {stable_mosaic.version = 14 : i64} {
  func.func @_xr_body(%arg0: i32, %arg1: memref<2048x128xf32, #tpu.memory_space<vmem>>, %arg2: memref<128x128xf32, #tpu.memory_space<vmem>>, %arg3: memref<1x128xf32, #tpu.memory_space<vmem>>, %arg4: memref<2048x128xf32, #tpu.memory_space<vmem>>) attributes {dimension_semantics = [#tpu.dimension_semantics<arbitrary>], iteration_bounds = array<i64: 5>, scalar_prefetch = 0 : i64, scratch_operands = 0 : i64, tpu.core_type = #tpu.core_type<tc>, window_params = [{transform_indices = @transform_0, window_bounds = array<i64: 2048, 128>}, {pipeline_mode = #tpu.pipeline_mode<synchronous>, transform_indices = @transform_1, window_bounds = array<i64: 128, 128>}, {pipeline_mode = #tpu.pipeline_mode<synchronous>, transform_indices = @transform_2, window_bounds = array<i64: 1, 128>}, {transform_indices = @transform_3, window_bounds = array<i64: 2048, 128>}]} {
    %get3A = arith.constant 0 : index
    %get3A_0 = arith.constant 0 : index
    %get3A_1 = vector.load %arg1[%get3A, %get3A_0] : memref<2048x128xf32, #tpu.memory_space<vmem>>, vector<2048x128xf32>
    %get3A_2 = arith.constant 0 : index
    %get3A_3 = arith.constant 0 : index
    %get3A_4 = vector.load %arg2[%get3A_2, %get3A_3] : memref<128x128xf32, #tpu.memory_space<vmem>>, vector<128x128xf32>
    %dot_general3A = arith.constant dense<0.000000e+00> : vector<2048x128xf32>
    %dot_general3A_5 = tpu.matmul %get3A_1, %get3A_4, %dot_general3A {dimension_numbers = #tpu.dot_dimension_numbers<[1], [1], [0], [0], [0, 0, 1, 0], [], []>, transpose_lhs_hint = false} : vector<2048x128xf32>, vector<128x128xf32>, vector<2048x128xf32> -> vector<2048x128xf32>
    %get3A_6 = arith.constant 0 : index
    %get3A_7 = arith.constant 0 : index
    %get3A_8 = vector.load %arg3[%get3A_6, %get3A_7] : memref<1x128xf32, #tpu.memory_space<vmem>>, vector<1x128xf32>
    %add3A = vector.broadcast %get3A_8 : vector<1x128xf32> to vector<2048x128xf32>
    %add3A_9 = arith.addf %dot_general3A_5, %add3A : vector<2048x128xf32>
    %swap3A = arith.constant 0 : index
    %swap3A_10 = arith.constant 0 : index
    %swap3A_11 = vector.load %arg4[%swap3A, %swap3A_10] : memref<2048x128xf32, #tpu.memory_space<vmem>>, vector<2048x128xf32>
    tpu.vector_store %arg4[%swap3A, %swap3A_10], %add3A_9 {strides = array<i32>} : memref<2048x128xf32, #tpu.memory_space<vmem>>, vector<2048x128xf32>,
    return
  }
  func.func @transform_0(%arg0: i32) -> (i32, i32) {
    %c0_i32 = arith.constant 0 : i32
    %c0_i32_0 = arith.constant 0 : i32
    return %arg0, %c0_i32 : i32, i32
  }
  func.func @transform_1(%arg0: i32) -> (i32, i32) {
    %c0_i32 = arith.constant 0 : i32
    %c0_i32_0 = arith.constant 0 : i32
    %c0_i32_1 = arith.constant 0 : i32
    return %c0_i32, %c0_i32_0 : i32, i32
  }
  func.func @transform_2(%arg0: i32) -> (i32, i32) {
    %c0_i32 = arith.constant 0 : i32
    %c0_i32_0 = arith.constant 0 : i32
    %c0_i32_1 = arith.constant 0 : i32
    return %c0_i32, %c0_i32_0 : i32, i32
  }
  func.func @transform_3(%arg0: i32) -> (i32, i32) {
    %c0_i32 = arith.constant 0 : i32
    %c0_i32_0 = arith.constant 0 : i32
    return %arg0, %c0_i32 : i32, i32
  }
}

module attributes {stable_mosaic.version = 14 : i64} {
  func.func @_tc_body(%arg0: i32, %arg1: memref<2x2048x128xf32, #tpu.memory_space<vmem>>, %arg2: memref<2x2048xf32, #tpu.memory_space<vmem>>, %arg3: memref<2048x128xf32, #tpu.memory_space<vmem>>, %arg4: memref<128x128xf32, #tpu.memory_space<vmem>>, %arg5: memref<2048x128xf32, #tpu.memory_space<vmem>>) attributes {dimension_semantics = [#tpu.dimension_semantics<arbitrary>], iteration_bounds = array<i64: 5>, scalar_prefetch = 0 : i64, scratch_operands = 0 : i64, tpu.core_type = #tpu.core_type<tc>, window_params = [{transform_indices = @transform_0, window_bounds = array<i64: 2, 2048, 128>}, {transform_indices = @transform_1, window_bounds = array<i64: 2, 2048>}, {transform_indices = @transform_2, window_bounds = array<i64: 2048, 128>}, {pipeline_mode = #tpu.pipeline_mode<synchronous>, transform_indices = @transform_3, window_bounds = array<i64: 128, 128>}, {transform_indices = @transform_4, window_bounds = array<i64: 2048, 128>}]} {
    %get3A = arith.constant 0 : index
    %get3A_0 = arith.constant 0 : index
    %get3A_1 = arith.constant 0 : index
    %get3A_2 = vector.load %arg1[%get3A, %get3A_0, %get3A_1] : memref<2x2048x128xf32, #tpu.memory_space<vmem>>, vector<1x2048x128xf32>
    %get3A_3 = vector.shape_cast %get3A_2 : vector<1x2048x128xf32> to vector<2048x128xf32>
    %get3A_4 = arith.constant 1 : index
    %get3A_5 = arith.constant 0 : index
    %get3A_6 = arith.constant 0 : index
    %get3A_7 = vector.load %arg1[%get3A_4, %get3A_5, %get3A_6] : memref<2x2048x128xf32, #tpu.memory_space<vmem>>, vector<1x2048x128xf32>
    %get3A_8 = vector.shape_cast %get3A_7 : vector<1x2048x128xf32> to vector<2048x128xf32>
    %add3A = arith.addf %get3A_3, %get3A_8 : vector<2048x128xf32>
    %get3A_9 = arith.constant 0 : index
    %get3A_10 = arith.constant 0 : index
    %get3A_11 = vector.load %arg2[%get3A_9, %get3A_10] : memref<2x2048xf32, #tpu.memory_space<vmem>>, vector<1x2048xf32>
    %get3A_12 = vector.shape_cast %get3A_11 : vector<1x2048xf32> to vector<2048xf32>
    %get3A_13 = arith.constant 1 : index
    %get3A_14 = arith.constant 0 : index
    %get3A_15 = vector.load %arg2[%get3A_13, %get3A_14] : memref<2x2048xf32, #tpu.memory_space<vmem>>, vector<1x2048xf32>
    %get3A_16 = vector.shape_cast %get3A_15 : vector<1x2048xf32> to vector<2048xf32>
    %add3A_17 = arith.addf %get3A_12, %get3A_16 : vector<2048xf32>
    %reshape3A = vector.shape_cast %add3A_17 : vector<2048xf32> to vector<2048x1xf32>
    %max3A = arith.constant 1.000000e+00 : f32
    %max3A_18 = vector.broadcast %max3A : f32 to vector<2048x1xf32>
    %max3A_19 = arith.maximumf %reshape3A, %max3A_18 : vector<2048x1xf32>
    %div3A = vector.broadcast %max3A_19 : vector<2048x1xf32> to vector<2048x128xf32>
    %div3A_20 = arith.divf %add3A, %div3A : vector<2048x128xf32>
    %get3A_21 = arith.constant 0 : index
    %get3A_22 = arith.constant 0 : index
    %get3A_23 = vector.load %arg4[%get3A_21, %get3A_22] : memref<128x128xf32, #tpu.memory_space<vmem>>, vector<128x128xf32>
    %dot_general3A = arith.constant dense<0.000000e+00> : vector<2048x128xf32>
    %dot_general3A_24 = tpu.matmul %div3A_20, %get3A_23, %dot_general3A {dimension_numbers = #tpu.dot_dimension_numbers<[1], [1], [0], [0], [0, 0, 1, 0], [], []>, transpose_lhs_hint = false} : vector<2048x128xf32>, vector<128x128xf32>, vector<2048x128xf32> -> vector<2048x128xf32>
    %get3A_25 = arith.constant 0 : index
    %get3A_26 = arith.constant 0 : index
    %get3A_27 = vector.load %arg3[%get3A_25, %get3A_26] : memref<2048x128xf32, #tpu.memory_space<vmem>>, vector<2048x128xf32>
    %add3A_28 = arith.addf %dot_general3A_24, %get3A_27 : vector<2048x128xf32>
    %reduce_max3A = arith.constant dense<0xFF800000> : vector<2048xf32>
    %reduce_max3A_29 = vector.multi_reduction <maximumf>, %add3A_28, %reduce_max3A [1] : vector<2048x128xf32> to vector<2048xf32>
    %broadcast_in_dim3A = vector.shape_cast %reduce_max3A_29 : vector<2048xf32> to vector<2048x1xf32>
    %sub3A = vector.broadcast %broadcast_in_dim3A : vector<2048x1xf32> to vector<2048x128xf32>
    %sub3A_30 = arith.subf %add3A_28, %sub3A : vector<2048x128xf32>
    %exp3A = math.exp %sub3A_30 : vector<2048x128xf32>
    %reduce_sum3A = arith.constant dense<0.000000e+00> : vector<2048xf32>
    %reduce_sum3A_31 = vector.multi_reduction <add>, %exp3A, %reduce_sum3A [1] : vector<2048x128xf32> to vector<2048xf32>
    %broadcast_in_dim3A_32 = vector.shape_cast %reduce_sum3A_31 : vector<2048xf32> to vector<2048x1xf32>
    %log3A = math.log %broadcast_in_dim3A_32 : vector<2048x1xf32>
    %sub3A_33 = vector.broadcast %log3A : vector<2048x1xf32> to vector<2048x128xf32>
    %sub3A_34 = arith.subf %sub3A_30, %sub3A_33 : vector<2048x128xf32>
    %swap3A = arith.constant 0 : index
    %swap3A_35 = arith.constant 0 : index
    %swap3A_36 = vector.load %arg5[%swap3A, %swap3A_35] : memref<2048x128xf32, #tpu.memory_space<vmem>>, vector<2048x128xf32>
    tpu.vector_store %arg5[%swap3A, %swap3A_35], %sub3A_34 {strides = array<i32>} : memref<2048x128xf32, #tpu.memory_space<vmem>>, vector<2048x128xf32>,
    return
  }
  func.func @transform_0(%arg0: i32) -> (i32, i32, i32) {
    %c0_i32 = arith.constant 0 : i32
    %c0_i32_0 = arith.constant 0 : i32
    %c0_i32_1 = arith.constant 0 : i32
    return %c0_i32, %arg0, %c0_i32_0 : i32, i32, i32
  }
  func.func @transform_1(%arg0: i32) -> (i32, i32) {
    %c0_i32 = arith.constant 0 : i32
    %c0_i32_0 = arith.constant 0 : i32
    return %c0_i32, %arg0 : i32, i32
  }
  func.func @transform_2(%arg0: i32) -> (i32, i32) {
    %c0_i32 = arith.constant 0 : i32
    %c0_i32_0 = arith.constant 0 : i32
    return %arg0, %c0_i32 : i32, i32
  }
  func.func @transform_3(%arg0: i32) -> (i32, i32) {
    %c0_i32 = arith.constant 0 : i32
    %c0_i32_0 = arith.constant 0 : i32
    %c0_i32_1 = arith.constant 0 : i32
    return %c0_i32, %c0_i32_0 : i32, i32
  }
  func.func @transform_4(%arg0: i32) -> (i32, i32) {
    %c0_i32 = arith.constant 0 : i32
    %c0_i32_0 = arith.constant 0 : i32
    return %arg0, %c0_i32 : i32, i32
  }
}

</mosaic_0001>

<sc_bundles>
// kernel: kernel.5.cloned.1.call-start
scs
__scs_entry_jumppad:
0x0: {  	(pc) =	sbr.rel $0x88, $3  }
0x1: {  	(tag) =	ssettag $0x0;
	lr =	simm.s32 $0x1  }
0x2: {  	[smem:$0x3F9C] =	sst lr;
	_ =	strace $0xD0000000  }
0x3: {  	_ = 	snop  }
0x4: {  	_ = 	snop  }
0x5: {  	_ = 	snop  }
0x6: {  	_ = 	snop  }
0x7: {  	_ = 	snop  }
__scs_overlays_trampoline_lowered:
0x8: {  	[smem:$0x3FAB] =	sst s0  }
0x9: {  	[smem:$0x3FAC] =	sst s1  }
0xa: {  	[smem:$0x3FAD] =	sst s2  }
0xb: {  	[smem:$0x3FAE] =	sst s3  }
0xc: {  	[smem:$0x3FAF] =	sst s4  }
0xd: {  	[smem:$0x3FB0] =	sst s5  }
0xe: {  	[smem:$0x3FB1] =	sst s6  }
0xf: {  	[smem:$0x3FB2] =	sst s7  }
0x10: {  	[smem:$0x3FB3] =	sst s8  }
0x11: {  	[smem:$0x3FB4] =	sst s9;
	s0 =	simm.s32 @!p0 $0x0  }
0x12: {  	s1 =	sld [smem:$0x3F9A];
	s0 =	simm.s32 @p0 $0x1  }
0x13: {  	[smem:$0x3FB5] =	sst s0;
	s0 =	simm.s32 @!p1 $0x0  }
0x14: {  	s2 =	sld [smem:$0x3F99];
	s0 =	simm.s32 @p1 $0x1  }
0x15: {  	[smem:$0x3FB6] =	sst s0;
	s0 =	simm.s32 @!p2 $0x0  }
0x16: {  	s3 =	sld [smem:$0x3FDB];
	s0 =	simm.s32 @p2 $0x1  }
0x17: {  	s4 =	simm.s32 $0x1BF5;
	[smem:$0x3FB8] =	sst s0  }
0x18: {  	s0 =	sld [smem:$0x3F9B];
	_ =	swait.ge [sflag:s4], $0x0  }
0x19: {  	s7 =	sld [smem:$0x3F9C]  }
0x1a: {  	s8 =	sadd.s32 $0xFFFFE003, lr  }
0x1b: {  	s9 =	sadd.s32 $0xFFFFFEF7, lr;
	s5 =	simm.s32 $0xFFFFFFFF;
	p2 =	slt.u32 s8, $0xFFFFF086  }
0x1c: {  	p1 =	slt.u32 s9, $0xF7A;
	s5 =	simm.s32 @!p2 $0x0  }
0x1d: {  	s5 =	simm.s32 @p1 $0x1;
	p0 =	seq.s32 s7, s2  }
0x1e: {  	s7 =	smul.u32 @!p0 $0xF7A, s2;
	p2 =	seq.s32 @!p0 s5, $0x0  }
0x1f: {  	s9 =	smul.u32 $0xF7A, s1;
	s8 =	simm.s32 @!p0 $0x1BF5;
	p2 =	por !p2, p0  }
0x20: {  	[sflag:s8] =	ssyncset.s32 @!p0 $0xFFFFF086;
	s6 =	sadd.s32 @!p0 s3, s7;
	s7 =	simm.s32 @!p0 $0x108  }
0x21: {  	s3 =	sadd.s32 s3, s9;
	s6 =	sadd.s32 @!p0 $0x88, s6;
	s7 =	simm.s32 @p2 $0x1082  }
0x22: {  	[simem:s7], [sflag:s8] =	dma.local @!p0 [hbm:s6], $0xF7A  }
0x23: {  	s9 =	sor.u32 $0xD0000000, s2;
	s6 =	simm.s32 $0x108;
	_ =	swait.ge @!p0 [sflag:s8], $0x0  }
0x24: {  	s3 =	sadd.s32 $0x88, s3;
	s6 =	simm.s32 @!p1 $0x1082;
	[sflag:s4] =	ssyncset.s32 $0xFFFFF086  }
0x25: {  	[simem:s6], [sflag:s4] =	dma.local [hbm:s3], $0xF7A  }
0x26: {  	[smem:$0x3F9C] =	sst s1;
	(tag) =	ssettag s2;
	_ =	strace s9  }
0x27: {  	s1 =	sld [smem:$0x3FAC]  }
0x28: {  	s2 =	sld [smem:$0x3FAD]  }
0x29: {  	s4 =	sld [smem:$0x3FAF]  }
0x2a: {  	p0 =	seq.s32 s5, $0x0;
	s5 =	sld [smem:$0x3FB0]  }
0x2b: {  	s6 =	sld [smem:$0x3FB1]  }
0x2c: {  	s7 =	sld [smem:$0x3FB2]  }
0x2d: {  	s3 =	simm.s32 $0x108;
	s8 =	sld [smem:$0x3FB3]  }
0x2e: {  	s3 =	simm.s32 @!p0 $0x1082;
	s9 =	sld [smem:$0x3FB4]  }
0x2f: {  	lr =	sadd.s32 s0, s3;
	s0 =	sld [smem:$0x3FAB]  }
0x30: {  	s3 =	sld [smem:$0x3FAE]  }
0x31: {  	[smem:$0x3FB7] =	sst s10  }
0x32: {  	s10 =	sld [smem:$0x3FB5];
	_ =	sdelay $0x3  }
0x33: {  	p0 =	seq.s32 s10, $0x1;
	s10 =	sld [smem:$0x3FB7];
	_ =	sdelay $0x3  }
0x34: {  	[smem:$0x3FB7] =	sst s10  }
0x35: {  	s10 =	sld [smem:$0x3FB6];
	_ =	sdelay $0x3  }
0x36: {  	p1 =	seq.s32 s10, $0x1;
	s10 =	sld [smem:$0x3FB7];
	_ =	sdelay $0x3  }
0x37: {  	[smem:$0x3FB7] =	sst s10  }
0x38: {  	s10 =	sld [smem:$0x3FB8]  }
0x39: {  	_ = 	snop;
	(pc) =	sbr.ind lr, $3  }
0x3a: {  	_ = 	snop  }
0x3b: {  	_ = 	snop  }
0x3c: {  	p2 =	seq.s32 s10, $0x1;
	s10 =	sld [smem:$0x3FB7]  }
0x3d: {  	_ =	shalt  }
0x3e: {  	_ =	shalt  }
0x3f: {  	_ =	shalt  }
0x40: {  	_ =	shalt  }
0x41: {  	_ =	shalt  }
0x42: {  	_ =	shalt  }
0x43: {  	_ =	shalt  }
0x44: {  	_ =	shalt  }
0x45: {  	_ =	shalt  }
0x46: {  	_ =	shalt  }
0x47: {  	_ =	shalt  }
0x48: {  	_ =	shalt  }
0x49: {  	_ =	shalt  }
0x4a: {  	_ =	shalt  }
0x4b: {  	_ =	shalt  }
0x4c: {  	_ =	shalt  }
0x4d: {  	_ =	shalt  }
0x4e: {  	_ =	shalt  }
0x4f: {  	_ =	shalt  }
0x50: {  	_ =	shalt  }
0x51: {  	_ =	shalt  }
0x52: {  	_ =	shalt  }
0x53: {  	_ =	shalt  }
0x54: {  	_ =	shalt  }
0x55: {  	_ =	shalt  }
0x56: {  	_ =	shalt  }
0x57: {  	_ =	shalt  }
0x58: {  	_ =	shalt  }
0x59: {  	_ =	shalt  }
0x5a: {  	_ =	shalt  }
0x5b: {  	_ =	shalt  }
0x5c: {  	_ =	shalt  }
0x5d: {  	_ =	shalt  }
0x5e: {  	_ =	shalt  }
0x5f: {  	_ =	shalt  }
0x60: {  	_ =	shalt  }
0x61: {  	_ =	shalt  }
0x62: {  	_ =	shalt  }
0x63: {  	_ =	shalt  }
0x64: {  	_ =	shalt  }
0x65: {  	_ =	shalt  }
0x66: {  	_ =	shalt  }
0x67: {  	_ =	shalt  }
0x68: {  	_ =	shalt  }
0x69: {  	_ =	shalt  }
0x6a: {  	_ =	shalt  }
0x6b: {  	_ =	shalt  }
0x6c: {  	_ =	shalt  }
0x6d: {  	_ =	shalt  }
0x6e: {  	_ =	shalt  }
0x6f: {  	_ =	shalt  }
0x70: {  	_ =	shalt  }
0x71: {  	_ =	shalt  }
0x72: {  	_ =	shalt  }
0x73: {  	_ =	shalt  }
0x74: {  	_ =	shalt  }
0x75: {  	_ =	shalt  }
0x76: {  	_ =	shalt  }
0x77: {  	_ =	shalt  }
0x78: {  	_ =	shalt  }
0x79: {  	_ =	shalt  }
0x7a: {  	_ =	shalt  }
0x7b: {  	_ =	shalt  }
0x7c: {  	_ =	shalt  }
0x7d: {  	_ =	shalt  }
0x7e: {  	_ =	shalt  }
0x7f: {  	_ =	shalt  }
0x80: {  	_ =	shalt  }
0x81: {  	_ =	shalt  }
0x82: {  	_ =	shalt  }
0x83: {  	_ =	shalt  }
0x84: {  	_ =	shalt  }
0x85: {  	_ =	shalt  }
0x86: {  	_ =	shalt  }
0x87: {  	_ =	shalt  }
.Lfunc_end0:
.L_simem_size_0:
called_computation_lowered:
.L_overlay_start_0:
0x88: {  	s2 =	sld [smem:$0x3FD9]  }
0x89: {  	s3 =	sld [smem:$0x3FFE];
	_ =	sdelay $0x1  }
0x8a: {  	s1 =	srdreg.scid  }
0x8b: {  	s0 =	sand.u32 $0x1, s1  }
0x8c: {  	s17 =	sshll.u32 s0, $0xA;
	s2 =	sadd.s32 s3, s2  }
0x8d: {  	s2 =	sadd.s32 s2, s17  }
0x8e: {  	[smem:$0x3FC3] =	sst s2  }
0x8f: {  	_ = 	snop  }
0x90: {  	s2 =	sld [smem:$0x3FC9]  }
0x91: {  	s18 =	sld [smem:$0x3FD0];
	(tm) =	ssettm $0x1  }
0x92: {  	s4 =	sld [smem:$0x3FFB];
	_ =	sdelay $0x3  }
0x93: {  	_ =	strace s4  }
0x94: {  	s4 =	sld [smem:$0x3FFC];
	_ =	sdelay $0x3  }
0x95: {  	_ =	strace s4  }
0x96: {  	s4 =	sld [smem:$0x3FFD];
	_ =	sdelay $0x3  }
0x97: {  	_ =	strace s4  }
0x98: {  	_ =	strace $0x8FFFFFFF  }
0x99: {  	s19 =	sld [smem:$0x3FDB];
	_ =	sdelay $0x1  }
0x9a: {  	s5 =	simm.s32 $_scs_section_size  }
0x9b: {  	s6 =	simm.s32 $_size__tile_overlayer_lowered;
	s7 =	simm.s32 $_tile_overlayer_lowered  }
0x9c: {  	s22 =	simm.s32 $0x1BFF;
	s21 =	sshll.u32 s7, $0x1;
	s4 =	sadd.s32 s5, s19  }
0x9d: {  	s8 =	simm.s32 $0x0;
	s20 =	sshll.u32 s6, $0x1;
	s6 =	sadd.s32 s21, s4  }
0x9e: {  	[timem:s8], [sflag:s22] =	dma.local [hbm:s6], s20  }
0x9f: {  	_ =	swait.ge [sflag:s22], s20  }
0xa0: {  	s5 =	ssub.s32 $0x0, s20;
	[sflag:s22] =	ssyncset.done $0x0  }
0xa1: {  	[sflag:s22] =	ssyncadd.s32 s5;
	_ =	sdelay $0x1  }
0xa2: {  	s23 =	simm.s32 $0x1B8B  }
0xa3: {  	_ =	swait.ge [sflag:s23], $0x1  }
0xa4: {  	[sflag:s23] =	ssyncset.done $0x0  }
0xa5: {  	s25 =	simm.s32 $0x1B8E;
	s24 =	sld [smem:$0x3FFE];
	[sflag:s23] =	ssyncadd.s32 $0xFFFFFFFF  }
0xa6: {  	s26 =	simm.s32 $execute0_lowered;
	[smem:$0x3FD2] =	sst s25  }
0xa7: {  	s6 =	sshll.u32 s26, $0x1;
	_ =	strace $0x80000046;
	[dreg:$0x1] =	wrdreg $0xFFFFFFFF  }
0xa8: {  	s28 =	simm.s32 $_size_execute0_lowered;
	s4 =	sadd.s32 s4, s6;
	[dreg:$0x0] =	wrdreg $0x0  }
0xa9: {  	s6 =	sshll.u32 s28, $0x1;
	[dreg:$0x2] =	wrdreg s4  }
0xaa: {  	[dreg:$0x3] =	wrdreg s6  }
0xab: {  	[dreg:$0x4] =	wrdreg $0xC0  }
0xac: {  	_ =	task [dreg:s8], $0x5FFFF  }
0xad: {  	[dreg:$0x1] =	wrdreg $0xFFFFFFFF  }
0xae: {  	[dreg:$0x0] =	wrdreg $0x60  }
0xaf: {  	[dreg:$0x2] =	wrdreg s2  }
0xb0: {  	[dreg:$0x3] =	wrdreg s18  }
0xb1: {  	[dreg:$0x4] =	wrdreg s24  }
0xb2: {  	[dreg:$0x5] =	wrdreg $0xA7D00  }
0xb3: {  	[dreg:$0x6] =	wrdreg $0x1E7D00  }
0xb4: {  	[dreg:$0x7] =	wrdreg $0x9  }
0xb5: {  	_ =	task.clear_ibuf [dreg:s8], $0x8FFFF;
	_ =	strace $0x90000046  }
0xb6: {  	s29 =	simm.s32 $0x9;
	_ =	strace $0x80000048  }
0xb7: {  	_ =	swait.ge [sflag:s29], $0x1  }
0xb8: {  	[sflag:s29] =	ssyncadd.s32 $0xFFFFFFFF  }
0xb9: {  	_ =	strace $0x90000048  }
0xba: {  	_ =	sfence  }
0xbb: {  	s30 =	sld [smem:$0x0];
	_ =	sdelay $0x2  }
0xbc: {  	s31 =	sshll.u32 s1, $0xD;
	s1 =	sshrl.u32 s1, $0x2  }
0xbd: {  	s3 =	sand.u32 $0x4000, s31;
	s1 =	sadd.s32 s1, s30  }
0xbe: {  	s0 =	sor.u32 s3, s0;
	s1 =	sshll.u32 s1, $0x11  }
0xbf: {  	s0 =	sor.u32 s1, s0  }
0xc0: {  	s0 =	sadd.s32 $0x8F2B, s0  }
0xc1: {  	[sflag:s0] =	ssyncadd.remote.s32 $0x1  }
0xc2: {  	_ =	sfence.sel $0xFFFF  }
0xc3: {  	[dreg:$0x0] =	wrdreg $0xFFFFFFFF;
	(pc) =	sbr.abs _section_cstart, $3  }
0xc4: {  	[dreg:$0x1] =	wrdreg $0xFFFFFFFF  }
0xc5: {  	_ =	task.clear_ibuf [dreg:s8], $0x2FFFF;
	_ =	strace $0x9FFFFFFF  }
0xc6: {  	(tm) =	ssettm $0x7FFFFFFF  }
0xc7: {  	_ =	shalt  }
tec
execute0_lowered:
.L_overlay_start_1:
0x0: {  	(tag) =	ssettag $0x1  }
0x1: {  	s0 =	rddreg [dreg:$0x0]  }
0x2: {  	s1 =	rddreg [dreg:$0x1];
	s14 =	stileid.u32  }
0x3: {  	s2 =	srdreg.scid;
	s7 =	smul.u32 $0x14000, s14  }
0x4: {  	s5 =	rddreg [dreg:$0x2];
	s8 =	smul.u32 $0x280, s14  }
0x5: {  	s3 =	rddreg [dreg:$0x3];
	s13 =	smul.u32 $0x50000, s14  }
0x6: {  	s2 =	sand.u32 $0x1, s2;
	s10 =	sshll.u32 s14, $0x1;
	s14 =	smul.u32 $0x14, s14  }
0x7: {  	s4 =	rddreg [dreg:$0x4];
	s24 =	simm.s32 $0x0;
	s6 =	smul.u32 $0x140000, s2  }
0x8: {  	s29 =	simm.s32 $0x50;
	s30 =	simm.s32 $0x4E200;
	s9 =	smul.u32 $0x2800, s2  }
0x9: {  	s10 =	sor.u32 s2, s10;
	s22 =	ssub.s32 $0x2, s2;
	s2 =	smul.u32 $0xA, s2  }
0xa: {  	s31 =	simm.s32 $0x0;
	[smem:$0x7FF] =	sst s24;
	s11 =	smul.u32 $0x50, s10  }
0xb: {  	_ =	strace $0x80000047;
	s10 =	smul.u32 $0xA, s10;
	s12 =	sshrl.u32 s22, $0x1  }
0xc: {  	s28 =	sshrl.u32 s13, $0x2;
	s6 =	sadd.s32 s7, s6;
	s9 =	sadd.s32 s8, s9  }
0xd: {  	s6 =	sshrl.u32 s6, $0x3;
	s9 =	sshrl.u32 s9, $0x3;
	s11 =	sshrl.u32 s11, $0x3  }
0xe: {  	s15 =	sadd.s32 s1, s10;
	s10 =	sadd.s32 s28, s3;
	s6 =	sadd.s32 s6, s5  }
0xf: {  	s5 =	sadd.s32 s9, s5;
	s11 =	sadd.s32 s1, s11;
	[dreg:$0xb] =	wrdreg s10  }
0x10: {  	s9 =	ssub.s32 s22, s12;
	s13 =	sadd.s32 $0x2000, s10;
	[dreg:$0x6] =	wrdreg s15  }
0x11: {  	s12 =	sadd.s32 s8, s4;
	s16 =	sadd.s32 $0x4000, s10;
	[dreg:$0xf] =	wrdreg s13  }
0x12: {  	s8 =	sadd.s32 s7, s3;
	s17 =	sadd.s32 $0x6000, s10;
	[dreg:$0x10] =	wrdreg s16  }
0x13: {  	s18 =	sadd.s32 $0x8000, s10;
	s19 =	sadd.s32 $0xA000, s10;
	[dreg:$0x11] =	wrdreg s17  }
0x14: {  	s1 =	sadd.s32 s14, s1;
	s20 =	sadd.s32 $0xC000, s10;
	[dreg:$0x12] =	wrdreg s18  }
0x15: {  	s21 =	sadd.s32 $0xE000, s10;
	s22 =	sadd.s32 $0x10000, s10;
	[dreg:$0x13] =	wrdreg s19  }
0x16: {  	s28 =	sadd.s32 $0x640, s15;
	s7 =	simm.s32 $0x1E0;
	[dreg:$0x14] =	wrdreg s20  }
0x17: {  	s15 =	simm.s32 $0xA780;
	s23 =	sadd.s32 $0x140, s11;
	[dreg:$0x15] =	wrdreg s21  }
0x18: {  	s25 =	sadd.s32 $0x280, s11;
	s26 =	sadd.s32 $0x3C0, s11;
	[dreg:$0x16] =	wrdreg s22  }
0x19: {  	s11 =	sadd.s32 $0x500, s11;
	s6 =	sadd.s32 $0x2200, s6;
	[dreg:$0x19] =	wrdreg s28  }
0x1a: {  	s5 =	sadd.s32 $0x1800, s5;
	s1 =	sadd.s32 s2, s1;
	[dreg:$0x7] =	wrdreg s23  }
0x1b: {  	s13 =	simm.s32 $0x15;
	s16 =	simm.s32 $0xD;
	[dreg:$0x8] =	wrdreg s25  }
0x1c: {  	s17 =	simm.s32 $0x11;
	s18 =	simm.s32 $0xE;
	[dreg:$0x9] =	wrdreg s26  }
0x1d: {  	s19 =	simm.s32 $0x12;
	s20 =	simm.s32 $0xF;
	[dreg:$0xa] =	wrdreg s11  }
0x1e: {  	s21 =	simm.s32 $0x13;
	s22 =	simm.s32 $0x10;
	[dreg:$0xc] =	wrdreg s6  }
0x1f: {  	[dreg:$0xd] =	wrdreg s5;
	s11 =	smax.u32 s9, $0x1;
	s26 =	sadd.s32 $0x780, s1  }
0x20: {  	s23 =	sshrl.u32 s8, $0x3;
	s25 =	sadd.s32 $0x12000, s10;
	[dreg:$0xe] =	wrdreg s11  }
0x21: {  	s5 =	simm.s32 $0xA0;
	s6 =	simm.s32 $0x140;
	[dreg:$0x17] =	wrdreg s23  }
0x22: {  	v0 =	vimm.f32 $0.0e+00;
	v1 =	vimm.f32 $1.000000000e+00;
	s10 =	simm.s32 $0x7D00;
	[dreg:$0x18] =	wrdreg s25;
	s23 =	simm.s32 $0x14  }
.LBB2_1:
0x23: {  	s1 =	rddreg [dreg:$0x6]  }
0x24: {  	[tilespmem:s24], [sflag:$0x1] =	stream.strided.gather [hbm4b:s1+s29], $0xA0, s30, s29, $0x38;
	[tilespmem:$0x1EA50] =	vst v63  }
0x25: {  	s11 =	rddreg [dreg:$0x7]  }
0x26: {  	[tilespmem:s5], [sflag:$0x2] =	stream.strided.gather [hbm4b:s11+s29], $0xA0, s30, s29, $0x38;
	[tilespmem:$0x1EA50] =	vst v63  }
0x27: {  	s14 =	rddreg [dreg:$0x8]  }
0x28: {  	[tilespmem:s6], [sflag:$0x3] =	stream.strided.gather [hbm4b:s14+s29], $0xA0, s30, s29, $0x38;
	[tilespmem:$0x1EA50] =	vst v63  }
0x29: {  	s25 =	rddreg [dreg:$0x9]  }
0x2a: {  	[tilespmem:s7], [sflag:$0x4] =	stream.strided.gather [hbm4b:s25+s29], $0xA0, s30, s29, $0x38;
	[tilespmem:$0x1EA50] =	vst v63  }
0x2b: {  	s28 =	rddreg [dreg:$0xa];
	s2 =	simm.s32 $0x280  }
0x2c: {  	[tilespmem:s2], [sflag:$0x5] =	stream.strided.gather [hbm4b:s28+s29], $0xA0, s30, s29, $0x38;
	[tilespmem:$0x1EA50] =	vst v63  }
0x2d: {  	s1 =	simm.s32 $0x0;
	s2 =	simm.s32 $0x200  }
.LBB2_2:
0x2e: {  	p0 =	sne.s32 s2, $0x7E00;
	[tilespmem:s1+$0x7D70] =	vst v0  }
0x2f: {  	[tilespmem:s1+$0x7D00] =	vst v0  }
0x30: {  	[tilespmem:s1+$0x7D10] =	vst v0  }
.Ltmp0:
0x31: {  	[tilespmem:s1+$0x7D20] =	vst v0;
	(pc) =	sbr.rel @p0 .LBB2_2-.Ltmp0, $4  }
0x32: {  	[tilespmem:s1+$0x7D30] =	vst v0  }
0x33: {  	[tilespmem:s1+$0x7D40] =	vst v0  }
0x34: {  	[tilespmem:s1+$0x7D50] =	vst v0  }
0x35: {  	[tilespmem:s1+$0x7D60] =	vst v0;
	s1 =	sshra.s32 s2, $0x2;
	s2 =	sadd.s32 $0x200, s2  }
0x36: {  	[tilespmem:s1+$0x7D70] =	vst v0  }
0x37: {  	[tilespmem:s1+$0x7D00] =	vst v0  }
0x38: {  	[tilespmem:s1+$0x7D10] =	vst v0  }
0x39: {  	[tilespmem:s1+$0x7D20] =	vst v0  }
0x3a: {  	[tilespmem:s1+$0x7D30] =	vst v0  }
0x3b: {  	[tilespmem:s1+$0x7D40] =	vst v0  }
0x3c: {  	[tilespmem:s1+$0x7D50] =	vst v0  }
0x3d: {  	[tilespmem:s1+$0x7D60] =	vst v0;
	s14 =	simm.s32 $0x1  }
0x3e: {  	_ =	swait.ge [sflag:s14], $0xA0  }
0x3f: {  	[sflag:s14] =	ssyncset.done $0x0  }
0x40: {  	s2 =	simm.s32 $0x500;
	[sflag:s14] =	ssyncadd.s32 $0xFFFFFF60  }
0x41: {  	[tilespmem:s2], [sflag:$0x9] =	stream.indirect.gather [hbm4b:s0+s29], $0x80, s24, s29, $0xb8;
	[tilespmem:$0x1EA50] =	vst v63  }
0x42: {  	s24 =	simm.s32 $0x2  }
0x43: {  	_ =	swait.ge [sflag:s24], $0xA0  }
0x44: {  	[sflag:s24] =	ssyncset.done $0x0  }
0x45: {  	s25 =	simm.s32 $0x2D00;
	s8 =	simm.s32 $0x3;
	[sflag:s24] =	ssyncadd.s32 $0xFFFFFF60  }
0x46: {  	[tilespmem:s25], [sflag:$0xA] =	stream.indirect.gather [hbm4b:s0+s29], $0x80, s5, s29, $0xb8;
	[tilespmem:$0x1EA50] =	vst v63  }
0x47: {  	_ =	swait.ge [sflag:s8], $0xA0  }
0x48: {  	[sflag:s8] =	ssyncset.done $0x0  }
0x49: {  	s9 =	simm.s32 $0x5500;
	[sflag:s8] =	ssyncadd.s32 $0xFFFFFF60  }
0x4a: {  	[tilespmem:s9], [sflag:$0xB] =	stream.indirect.gather [hbm4b:s0+s29], $0x80, s6, s29, $0xb8;
	[tilespmem:$0x1EA50] =	vst v63  }
0x4b: {  	[tilespmem:$0xA500] =	vst v0  }
0x4c: {  	[tilespmem:$0xA510] =	vst v0  }
0x4d: {  	[tilespmem:$0xA520] =	vst v0  }
0x4e: {  	[tilespmem:$0xA530] =	vst v0  }
0x4f: {  	[tilespmem:$0xA540] =	vst v0  }
0x50: {  	[tilespmem:$0xA550] =	vst v0  }
0x51: {  	[tilespmem:$0xA560] =	vst v0  }
0x52: {  	[tilespmem:$0xA570] =	vst v0  }
0x53: {  	[tilespmem:$0xA580] =	vst v0  }
0x54: {  	[tilespmem:$0xA590] =	vst v0  }
0x55: {  	[tilespmem:$0xA5A0] =	vst v0  }
0x56: {  	[tilespmem:$0xA5B0] =	vst v0  }
0x57: {  	[tilespmem:$0xA5C0] =	vst v0  }
0x58: {  	[tilespmem:$0xA5D0] =	vst v0  }
0x59: {  	[tilespmem:$0xA5E0] =	vst v0  }
0x5a: {  	[tilespmem:$0xA5F0] =	vst v0  }
0x5b: {  	[tilespmem:$0xA600] =	vst v0  }
0x5c: {  	[tilespmem:$0xA610] =	vst v0  }
0x5d: {  	[tilespmem:$0xA620] =	vst v0  }
0x5e: {  	[tilespmem:$0xA630] =	vst v0  }
0x5f: {  	[tilespmem:$0xA640] =	vst v0  }
0x60: {  	[tilespmem:$0xA650] =	vst v0  }
0x61: {  	[tilespmem:$0xA660] =	vst v0  }
0x62: {  	[tilespmem:$0xA670] =	vst v0  }
0x63: {  	[tilespmem:$0xA680] =	vst v0  }
0x64: {  	[tilespmem:$0xA690] =	vst v0  }
0x65: {  	[tilespmem:$0xA6A0] =	vst v0  }
0x66: {  	[tilespmem:$0xA6B0] =	vst v0  }
0x67: {  	[tilespmem:$0xA6C0] =	vst v0  }
0x68: {  	[tilespmem:$0xA6D0] =	vst v0  }
0x69: {  	[tilespmem:$0xA6E0] =	vst v0  }
0x6a: {  	[tilespmem:$0xA6F0] =	vst v0  }
0x6b: {  	[tilespmem:$0xA700] =	vst v0  }
0x6c: {  	[tilespmem:$0xA710] =	vst v0  }
0x6d: {  	[tilespmem:$0xA720] =	vst v0  }
0x6e: {  	[tilespmem:$0xA730] =	vst v0  }
0x6f: {  	[tilespmem:$0xA740] =	vst v0  }
0x70: {  	[tilespmem:$0xA750] =	vst v0  }
0x71: {  	[tilespmem:$0xA760] =	vst v0  }
0x72: {  	[tilespmem:$0xA770] =	vst v0  }
0x73: {  	[tilespmem:$0xA780] =	vst v1  }
0x74: {  	[tilespmem:$0xA790] =	vst v1  }
0x75: {  	[tilespmem:$0xA7A0] =	vst v1  }
0x76: {  	[tilespmem:$0xA7B0] =	vst v1  }
0x77: {  	s11 =	rddreg [dreg:$0xb];
	[tilespmem:$0xA7C0] =	vst v1  }
0x78: {  	[spmem:s11] =	stream.linear.scatter [tilespmem:s10], [sflag:$0x15], $0x2000, $0x38;
	[tilespmem:$0x1EA50] =	vst v63  }
0x79: {  	_ =	swait.ge [sflag:s13], $0x2000  }
0x7a: {  	[sflag:s13] =	ssyncset.done $0x0  }
0x7b: {  	s14 =	rddreg [dreg:$0xf];
	[sflag:s13] =	ssyncadd.s32 $0xFFFFE000  }
0x7c: {  	[spmem:s14] =	stream.linear.scatter [tilespmem:s10], [sflag:$0x15], $0x2000, $0x38;
	[tilespmem:$0x1EA50] =	vst v63  }
0x7d: {  	_ =	swait.ge [sflag:s13], $0x2000  }
0x7e: {  	[sflag:s13] =	ssyncset.done $0x0  }
0x7f: {  	s24 =	rddreg [dreg:$0x10];
	[sflag:s13] =	ssyncadd.s32 $0xFFFFE000  }
0x80: {  	[spmem:s24] =	stream.linear.scatter [tilespmem:s10], [sflag:$0x15], $0x2000, $0x38;
	[tilespmem:$0x1EA50] =	vst v63  }
0x81: {  	_ =	swait.ge [sflag:s13], $0x2000  }
0x82: {  	[sflag:s13] =	ssyncset.done $0x0  }
0x83: {  	s25 =	rddreg [dreg:$0x11];
	[sflag:s13] =	ssyncadd.s32 $0xFFFFE000  }
0x84: {  	[spmem:s25] =	stream.linear.scatter [tilespmem:s10], [sflag:$0x15], $0x2000, $0x38;
	[tilespmem:$0x1EA50] =	vst v63  }
0x85: {  	_ =	swait.ge [sflag:s13], $0x2000  }
0x86: {  	[sflag:s13] =	ssyncset.done $0x0  }
0x87: {  	s5 =	rddreg [dreg:$0x12];
	[sflag:s13] =	ssyncadd.s32 $0xFFFFE000  }
0x88: {  	[spmem:s5] =	stream.linear.scatter [tilespmem:s10], [sflag:$0x15], $0x2000, $0x38;
	[tilespmem:$0x1EA50] =	vst v63  }
0x89: {  	_ =	swait.ge [sflag:s13], $0x2000  }
0x8a: {  	[sflag:s13] =	ssyncset.done $0x0  }
0x8b: {  	s6 =	rddreg [dreg:$0x13];
	[sflag:s13] =	ssyncadd.s32 $0xFFFFE000  }
0x8c: {  	[spmem:s6] =	stream.linear.scatter [tilespmem:s10], [sflag:$0x15], $0x2000, $0x38;
	[tilespmem:$0x1EA50] =	vst v63  }
0x8d: {  	_ =	swait.ge [sflag:s13], $0x2000  }
0x8e: {  	[sflag:s13] =	ssyncset.done $0x0  }
0x8f: {  	s8 =	rddreg [dreg:$0x14];
	[sflag:s13] =	ssyncadd.s32 $0xFFFFE000  }
0x90: {  	[spmem:s8] =	stream.linear.scatter [tilespmem:s10], [sflag:$0x15], $0x2000, $0x38;
	[tilespmem:$0x1EA50] =	vst v63  }
0x91: {  	_ =	swait.ge [sflag:s13], $0x2000  }
0x92: {  	[sflag:s13] =	ssyncset.done $0x0  }
0x93: {  	s9 =	rddreg [dreg:$0x15];
	[sflag:s13] =	ssyncadd.s32 $0xFFFFE000  }
0x94: {  	[spmem:s9] =	stream.linear.scatter [tilespmem:s10], [sflag:$0x15], $0x2000, $0x38;
	[tilespmem:$0x1EA50] =	vst v63  }
0x95: {  	_ =	swait.ge [sflag:s13], $0x2000  }
0x96: {  	[sflag:s13] =	ssyncset.done $0x0  }
0x97: {  	s11 =	rddreg [dreg:$0x16];
	[sflag:s13] =	ssyncadd.s32 $0xFFFFE000  }
0x98: {  	[spmem:s11] =	stream.linear.scatter [tilespmem:s10], [sflag:$0x15], $0x2000, $0x38;
	[tilespmem:$0x1EA50] =	vst v63  }
0x99: {  	_ =	swait.ge [sflag:s13], $0x2000  }
0x9a: {  	[sflag:s13] =	ssyncset.done $0x0  }
0x9b: {  	s14 =	rddreg [dreg:$0x18];
	[sflag:s13] =	ssyncadd.s32 $0xFFFFE000  }
0x9c: {  	[spmem:s14] =	stream.linear.scatter [tilespmem:s10], [sflag:$0x15], $0x2000, $0x38;
	[tilespmem:$0x1EA50] =	vst v63  }
0x9d: {  	_ =	swait.ge [sflag:s13], $0x2000  }
0x9e: {  	[sflag:s13] =	ssyncset.done $0x0  }
0x9f: {  	s24 =	simm.s32 $0xA500;
	[sflag:s13] =	ssyncadd.s32 $0xFFFFE000  }
0xa0: {  	[spmem:s12] =	stream.linear.scatter [tilespmem:s24], [sflag:$0x15], $0x280, $0x38;
	[tilespmem:$0x1EA50] =	vst v63  }
0xa1: {  	_ =	swait.ge [sflag:s13], $0x280  }
0xa2: {  	[sflag:s13] =	ssyncset.done $0x0  }
0xa3: {  	[sflag:s13] =	ssyncadd.s32 $0xFFFFFD80  }
0xa4: {  	s25 =	simm.s32 $0x9;
	[bflag:$0x0] =	sbarrier.arrive $0xFFFF  }
0xa5: {  	_ =	swait.ge [sflag:s25], $0x2800  }
0xa6: {  	[sflag:s25] =	ssyncset.done $0x0  }
0xa7: {  	[sflag:s25] =	ssyncadd.s32 $0xFFFFD800  }
0xa8: {  	[spmem:s3] =	stream.indirect.scatter.add.f32 [tilespmem:s2], [sflag:$0xD], $0x80, s29, s29, $0xb8;
	[tilespmem:$0x1EA50] =	vst v63  }
0xa9: {  	s2 =	simm.s32 $0x4  }
0xaa: {  	[spmem:s4] =	stream.indirect.scatter.add.f32 [tilespmem:s15], [sflag:$0x11], $0x1, s29, s29, $0xb8;
	[tilespmem:$0x1EA50] =	vst v63  }
0xab: {  	_ =	swait.ge [sflag:s2], $0xA0  }
0xac: {  	[sflag:s2] =	ssyncset.done $0x0  }
0xad: {  	[sflag:s2] =	ssyncadd.s32 $0xFFFFFF60  }
0xae: {  	[tilespmem:s10], [sflag:$0xC] =	stream.indirect.gather [hbm4b:s0+s29], $0x80, s7, s29, $0xb8;
	[tilespmem:$0x1EA50] =	vst v63  }
0xaf: {  	p0 =	por $0x0, $0x0;
	s7 =	simm.s32 $0x1  }
0xb0: {  	s6 =	simm.s32 $0x320;
	s5 =	rddreg [dreg:$0x19];
	s8 =	sand.u32 $0x7, s7  }
0xb1: {  	[tilespmem:s6], [sflag:$0x6] =	stream.strided.gather [hbm4b:s5+s29], $0xA0, s30, s29, $0x38;
	[tilespmem:$0x1EA50] =	vst v63  }
0xb2: {  	p1 =	por @!p0 $0x0, $0x0;
	s1 =	sand.u32 $0x3, s7;
	s2 =	smul.u32 $0x280, s8  }
0xb3: {  	s11 =	simm.s32 @!p0 $0x4;
	s9 =	sadd.s32 $0x9, s1;
	s8 =	smul.u32 $0xA000, s1  }
0xb4: {  	s24 =	sand.u32 @!p0 $0x3, s11;
	s14 =	sadd.s32 $0xD, s1;
	_ =	swait.ge [sflag:s9], $0x2800  }
0xb5: {  	s8 =	sshrl.u32 s8, $0x2;
	s2 =	sshrl.u32 s2, $0x2;
	[sflag:s9] =	ssyncset.done $0x0  }
0xb6: {  	s8 =	sor.u32 $0x500, s8;
	s2 =	sadd.s32 $0x50, s2;
	[sflag:s9] =	ssyncadd.s32 $0xFFFFD800  }
0xb7: {  	[spmem:s3] =	stream.indirect.scatter.add.f32 [tilespmem:s8], [sflag:s14], $0x80, s2, s29, $0xb8;
	[tilespmem:$0x1EA50] =	vst v63  }
0xb8: {  	p1 =	por p1, p0;
	s7 =	smul.u32 @!p0 $0xA000, s24;
	s1 =	sadd.s32 $0x11, s1  }
0xb9: {  	[spmem:s4] =	stream.indirect.scatter.add.f32 [tilespmem:s15], [sflag:s1], $0x1, s2, s29, $0xb8;
	[tilespmem:$0x1EA50] =	vst v63  }
0xba: {  	s5 =	simm.s32 $0x6;
	s8 =	sadd.s32 @!p0 $0xD, s24;
	s2 =	sand.u32 @!p0 $0x7, s11  }
0xbb: {  	s1 =	sshrl.u32 @!p0 s7, $0x2;
	_ =	swait.ge @!p0 [sflag:s8], $0x2800;
	s7 =	smul.u32 @!p0 $0x280, s2  }
0xbc: {  	s25 =	simm.s32 $0x7;
	s5 =	sand.u32 @!p1 $0x7, s5;
	[sflag:s8] =	ssyncset.done @!p0 $0x0  }
0xbd: {  	[sflag:s8] =	ssyncadd.s32 @!p0 $0xFFFFD800;
	s8 =	sadd.s32 @!p0 $0x11, s24;
	s28 =	sshrl.u32 @!p0 s7, $0x2  }
0xbe: {  	s7 =	sadd.s32 @!p0 $0x9, s24;
	s24 =	smul.u32 @!p1 $0x280, s5;
	_ =	swait.ge @!p0 [sflag:s8], $0x50  }
0xbf: {  	s11 =	sadd.s32 @!p1 $0x1, s5;
	s1 =	sor.u32 @!p0 $0x500, s1;
	[sflag:s8] =	ssyncset.done @!p0 $0x0  }
0xc0: {  	s5 =	sshrl.u32 @!p1 s24, $0x2;
	[sflag:s8] =	ssyncadd.s32 @!p0 $0xFFFFFFB0;
	s8 =	sadd.s32 @!p0 $0x1, s2  }
0xc1: {  	s24 =	smov.u32 s26;
	s2 =	sadd.s32 $0x140, s26;
	_ =	swait.ge @!p0 [sflag:s8], $0xA0  }
.LBB2_4:
0xc2: {  	[sflag:s8] =	ssyncset.done @!p0 $0x0  }
0xc3: {  	s9 =	simm.s32 @!p0 $0x50;
	s14 =	smov.u32 s25;
	s25 =	sadd.s32 $0x1, s25  }
0xc4: {  	s6 =	sadd.s32 $0xFFFFFFFB, s14;
	[sflag:s8] =	ssyncadd.s32 @!p0 $0xFFFFFF60;
	s8 =	simm.s32 @!p1 $0x4E200  }
0xc5: {  	[tilespmem:s1], [sflag:s7] =	stream.indirect.gather @!p0 [hbm4b:s0+s9], $0x80, s28, s9, $0xb8;
	[tilespmem:$0x1EA50] =	vst v63  }
0xc6: {  	s1 =	sand.u32 $0x3, s6;
	s7 =	sand.u32 $0x7, s6;
	s9 =	simm.s32 @!p1 $0x50  }
0xc7: {  	[tilespmem:s5], [sflag:s11] =	stream.strided.gather @!p1 [hbm4b:s24+s9], $0xA0, s8, s9, $0x38;
	[tilespmem:$0x1EA50] =	vst v63  }
0xc8: {  	p2 =	sne.s32 s25, $0x82;
	s7 =	smul.u32 $0x280, s7;
	s5 =	sadd.s32 $0x9, s1  }
0xc9: {  	p0 =	sgt.u32 s6, $0x79;
	s8 =	smul.u32 $0xA000, s1;
	s24 =	smov.u32 s2  }
0xca: {  	s9 =	sadd.s32 @!p0 $0xFFFFFFFE, s14;
	p1 =	sgt.u32 @!p0 s6, $0x77;
	_ =	swait.ge [sflag:s5], $0x2800  }
0xcb: {  	s7 =	sshrl.u32 s7, $0x2;
	s6 =	sshrl.u32 s8, $0x2;
	[sflag:s5] =	ssyncset.done $0x0  }
0xcc: {  	s7 =	sadd.s32 $0x50, s7;
	s8 =	sand.u32 @!p0 $0x3, s9;
	s6 =	sor.u32 $0x500, s6  }
0xcd: {  	s11 =	smul.u32 @!p0 $0xA000, s8;
	[sflag:s5] =	ssyncadd.s32 $0xFFFFD800;
	s5 =	sadd.s32 $0xD, s1  }
0xce: {  	[spmem:s3] =	stream.indirect.scatter.add.f32 [tilespmem:s6], [sflag:s5], $0x80, s7, s29, $0xb8;
	[tilespmem:$0x1EA50] =	vst v63  }
0xcf: {  	s1 =	sadd.s32 $0x11, s1;
	s5 =	sadd.s32 @!p0 $0xD, s8;
	s6 =	sshrl.u32 @!p0 s11, $0x2  }
0xd0: {  	[spmem:s4] =	stream.indirect.scatter.add.f32 [tilespmem:s15], [sflag:s1], $0x1, s7, s29, $0xb8;
	[tilespmem:$0x1EA50] =	vst v63  }
0xd1: {  	s9 =	sand.u32 @!p0 $0x7, s9;
	s1 =	sor.u32 @!p0 $0x500, s6;
	_ =	swait.ge @!p0 [sflag:s5], $0x2800  }
0xd2: {  	p1 =	por p1, p0;
	s6 =	smul.u32 @!p0 $0x280, s9;
	[sflag:s5] =	ssyncset.done @!p0 $0x0  }
.Ltmp1:
0xd3: {  	[sflag:s5] =	ssyncadd.s32 @!p0 $0xFFFFD800;
	s5 =	sadd.s32 @!p0 $0x11, s8;
	(pc) =	sbr.rel @p2 .LBB2_4-.Ltmp1, $4  }
0xd4: {  	s28 =	sshrl.u32 @!p0 s6, $0x2;
	s6 =	sand.u32 @!p1 $0x7, s14;
	_ =	swait.ge @!p0 [sflag:s5], $0x50  }
0xd5: {  	s7 =	sadd.s32 @!p0 $0x9, s8;
	s14 =	smul.u32 @!p1 $0x280, s6;
	[sflag:s5] =	ssyncset.done @!p0 $0x0  }
0xd6: {  	s8 =	sadd.s32 @!p0 $0x1, s9;
	s11 =	sadd.s32 @!p1 $0x1, s6;
	[sflag:s5] =	ssyncadd.s32 @!p0 $0xFFFFFFB0  }
0xd7: {  	s2 =	sadd.s32 $0x140, s2;
	s5 =	sshrl.u32 @!p1 s14, $0x2;
	_ =	swait.ge @!p0 [sflag:s8], $0xA0  }
0xd8: {  	[sflag:s8] =	ssyncset.done @!p0 $0x0  }
0xd9: {  	s2 =	simm.s32 @!p0 $0x50;
	[sflag:s8] =	ssyncadd.s32 @!p0 $0xFFFFFF60  }
0xda: {  	[tilespmem:s1], [sflag:s7] =	stream.indirect.gather @!p0 [hbm4b:s0+s2], $0x80, s28, s2, $0xb8;
	[tilespmem:$0x1EA50] =	vst v63  }
0xdb: {  	s1 =	simm.s32 @!p1 $0x4E200;
	s2 =	simm.s32 @!p1 $0x50  }
0xdc: {  	[tilespmem:s5], [sflag:s11] =	stream.strided.gather @!p1 [hbm4b:s24+s2], $0xA0, s1, s2, $0x38;
	[tilespmem:$0x1EA50] =	vst v63  }
0xdd: {  	_ =	swait.ge [sflag:s16], $0x2800  }
0xde: {  	[sflag:s16] =	ssyncset.done $0x0  }
0xdf: {  	[sflag:s16] =	ssyncadd.s32 $0xFFFFD800  }
0xe0: {  	_ =	swait.ge [sflag:s17], $0x50  }
0xe1: {  	[sflag:s17] =	ssyncset.done $0x0  }
0xe2: {  	[sflag:s17] =	ssyncadd.s32 $0xFFFFFFB0  }
0xe3: {  	_ =	swait.ge [sflag:s18], $0x2800  }
0xe4: {  	[sflag:s18] =	ssyncset.done $0x0  }
0xe5: {  	[sflag:s18] =	ssyncadd.s32 $0xFFFFD800  }
0xe6: {  	_ =	swait.ge [sflag:s19], $0x50  }
0xe7: {  	[sflag:s19] =	ssyncset.done $0x0  }
0xe8: {  	[sflag:s19] =	ssyncadd.s32 $0xFFFFFFB0  }
0xe9: {  	_ =	swait.ge [sflag:s20], $0x2800  }
0xea: {  	[sflag:s20] =	ssyncset.done $0x0  }
0xeb: {  	[sflag:s20] =	ssyncadd.s32 $0xFFFFD800  }
0xec: {  	_ =	swait.ge [sflag:s21], $0x50  }
0xed: {  	[sflag:s21] =	ssyncset.done $0x0  }
0xee: {  	[sflag:s21] =	ssyncadd.s32 $0xFFFFFFB0  }
0xef: {  	_ =	swait.ge [sflag:s22], $0x2800  }
0xf0: {  	[sflag:s22] =	ssyncset.done $0x0  }
0xf1: {  	[sflag:s22] =	ssyncadd.s32 $0xFFFFD800  }
0xf2: {  	_ =	swait.ge [sflag:s23], $0x50  }
0xf3: {  	[sflag:s23] =	ssyncset.done $0x0  }
0xf4: {  	[sflag:s23] =	ssyncadd.s32 $0xFFFFFFB0  }
0xf5: {  	s9 =	stileid.u32;
	[bflag:$0x0] =	sbarrier.arrive $0xFFFF  }
0xf6: {  	s1 =	sshll.u32 s9, $0x6;
	s11 =	rddreg [dreg:$0xc]  }
0xf7: {  	s1 =	sor.u32 $0x1C15, s1;
	s14 =	rddreg [dreg:$0x17]  }
0xf8: {  	[hbm:s11], [sflag:s1] =	dma.local [spmem:s14], $0x2800  }
0xf9: {  	_ =	swait.ge [sflag:s13], $0x2800  }
0xfa: {  	[sflag:s13] =	ssyncset.done $0x0  }
0xfb: {  	s24 =	sshrl.u32 s12, $0x3;
	s25 =	rddreg [dreg:$0xd];
	[sflag:s13] =	ssyncadd.s32 $0xFFFFD800  }
0xfc: {  	[hbm:s25], [sflag:s1] =	dma.local [spmem:s24], $0x50  }
0xfd: {  	_ =	swait.ge [sflag:s13], $0x50  }
0xfe: {  	s31 =	sadd.s32 $0x1, s31;
	s28 =	rddreg [dreg:$0xe]  }
0xff: {  	p0 =	sne.s32 s31, s28  }
.Ltmp2:
0x100: {  	_ = 	snop;
	(pc) =	sbr.rel @p0 .LBB2_1-.Ltmp2, $3  }
0x101: {  	_ =	sdelay $0x1  }
0x102: {  	s6 =	simm.s32 $0x140;
	s7 =	simm.s32 $0x1E0;
	[sflag:s13] =	ssyncset.done $0x0  }
0x103: {  	s5 =	simm.s32 $0xA0;
	s24 =	simm.s32 $0x0;
	[sflag:s13] =	ssyncadd.s32 $0xFFFFFFB0  }
0x104: {  	_ =	sfence.sel $0x180000  }
0x105: {  	[bflag:$0x0] =	sbarrier.arrive $0xFFFF  }
0x106: {  	_ =	strace $0x90000047  }
0x107: {  	s0 =	stileid.u32;
	[bflag:$0x2] =	sbarrier.arrive $0xFFFF  }
0x108: {  	p0 =	sne.s32 s0, $0x0;
	s0 =	rddreg [dreg:$0x5]  }
0x109: {  	s0 =	sadd.s32 @!p0 $0x100000, s0  }
0x10a: {  	[sflag:s0] =	ssyncadd.tile.s32 @!p0 $0x1;
	_ =	shalt  }
.Lfunc_end2:
_tile_overlayer_lowered:
.L_overlay_start_2:
0x10b: {  	(tag) =	ssettag $0x2  }
0x10c: {  	s0 =	rddreg [dreg:$0x0];
	s2 =	stileid.u32  }
0x10d: {  	s1 =	rddreg [dreg:$0x1];
	p0 =	sne.s32 s2, $0x0  }
0x10e: {  	s3 =	rddreg [dreg:$0x2];
	[bflag:$0x3] =	sbarrier.arrive $0xFFFF;
	s2 =	simm.s32 @!p0 $0x1C15  }
0x10f: {  	[timem:s3], [sflag:s2] =	dma.local @!p0 [hbm:s0], s1  }
0x110: {  	s0 =	simm.s32 @!p0 $0x15  }
0x111: {  	_ =	swait.ge @!p0 [sflag:s0], s1  }
0x112: {  	s1 =	ssub.s32 @!p0 $0x0, s1;
	[sflag:s0] =	ssyncset.done @!p0 $0x0  }
0x113: {  	[sflag:s0] =	ssyncadd.s32 @!p0 s1  }
0x114: {  	[bflag:$0x3] =	sbarrier.arrive $0xFFFF  }
0x115: {  	_ =	shalt  }

</sc_bundles>
